<compile_context>
chip_gen: v7x
topology: tpu7x:2x2x1
jax: 0.10.2.dev20260603
libtpu: 0.0.44.dev20260713+nightly
codegen_flags: <defaults>
</compile_context>

<pallas_src>
import functools

import jax
import jax.numpy as jnp
from jax import lax
from jax.experimental import pallas as pl
from jax.experimental.pallas import tpu as pltpu
from jax.experimental.pallas import tpu_sc as plsc

_N_ATOMS = 320000
_N_MOLS = 10000
_FEAT = 128
_HID = 64

_NC = 2
_NS = 16
_NW = _NC * _NS
_ATOMS_PER_TILE = _N_ATOMS // _NW
_CHUNK = 80
_N_CHUNKS = _ATOMS_PER_TILE // _CHUNK
_MOLS_PAD = 10240
_MOLS_PER_TILE = _MOLS_PAD // _NS

_LOG2 = 0.6931471805599453


@functools.partial(
    pl.kernel,
    mesh=plsc.VectorSubcoreMesh(core_axis_name="c", subcore_axis_name="s"),
    out_type=jax.ShapeDtypeStruct((_NC, _MOLS_PAD, _FEAT), jnp.float32),
    scratch_types=[
        pltpu.VMEM((4, _CHUNK), jnp.int32),
        pltpu.VMEM((4, _CHUNK, _FEAT), jnp.float32),
        pltpu.VMEM_SHARED((_MOLS_PAD, _FEAT), jnp.float32),
        pltpu.SemaphoreType.DMA,
        pltpu.SemaphoreType.DMA,
        pltpu.SemaphoreType.DMA,
        pltpu.SemaphoreType.DMA,
        pltpu.SemaphoreType.DMA,
        pltpu.SemaphoreType.DMA,
        pltpu.SemaphoreType.DMA,
        pltpu.SemaphoreType.DMA,
        pltpu.SemaphoreType.DMA,
        pltpu.SemaphoreType.DMA,
        pltpu.SemaphoreType.DMA,
        pltpu.SemaphoreType.DMA,
    ],
)
def _segsum_sc(feats_hbm, ids_hbm, out_hbm, ibufs, bufs, acc_sh,
               fsem0, fsem1, fsem2, fsem3, isem0, isem1, isem2, isem3,
               ssem0, ssem1, ssem2, ssem3):
    c = lax.axis_index("c")
    s = lax.axis_index("s")
    w = c * _NS + s
    tile_base = w * _ATOMS_PER_TILE
    fsems = (fsem0, fsem1, fsem2, fsem3)
    isems = (isem0, isem1, isem2, isem3)
    ssems = (ssem0, ssem1, ssem2, ssem3)

    def start_load(i, b):
        a = tile_base + i * _CHUNK
        pltpu.async_copy(ids_hbm.at[pl.ds(a, _CHUNK)], ibufs.at[b], isems[b])
        pltpu.async_copy(feats_hbm.at[pl.ds(a, _CHUNK)], bufs.at[b], fsems[b])

    start_load(1, 1)
    start_load(2, 2)

    zeros16 = jnp.zeros((16,), jnp.float32)

    def zb(i, carry):
        bufs[0, i // (_FEAT // 16), pl.ds((i % (_FEAT // 16)) * 16, 16)] = zeros16
        return carry

    lax.fori_loop(0, _CHUNK * (_FEAT // 16), zb, 0)

    mol_base = s * _MOLS_PER_TILE
    for j in range(_MOLS_PER_TILE // _CHUNK):
        pltpu.sync_copy(bufs.at[0], acc_sh.at[pl.ds(mol_base + j * _CHUNK, _CHUNK)])
    start_load(0, 0)
    plsc.subcore_barrier()

    def wait_load(i, b):
        a = tile_base + i * _CHUNK
        pltpu.make_async_copy(ids_hbm.at[pl.ds(a, _CHUNK)], ibufs.at[b],
                              isems[b]).wait()
        pltpu.make_async_copy(feats_hbm.at[pl.ds(a, _CHUNK)], bufs.at[b],
                              fsems[b]).wait()

    def start_scatter(b):
        pltpu.async_copy(bufs.at[b], acc_sh.at[ibufs.at[b]], ssems[b], add=True)

    def wait_scatter(b):
        pltpu.make_async_copy(bufs.at[b], acc_sh.at[ibufs.at[b]],
                              ssems[b]).wait()

    def body(j0, carry):
        for b in range(4):
            j = j0 * 4 + b
            wait_load(j, b)

            @pl.when(j >= 1)
            def _():
                wait_scatter((b - 1) % 4)

            start_scatter(b)

            @pl.when(j + 3 < _N_CHUNKS)
            def _():
                start_load(j + 3, (b + 3) % 4)

        return carry

    lax.fori_loop(0, (_N_CHUNKS - 1) // 4, body, 0)
    wait_load(_N_CHUNKS - 1, 0)
    wait_scatter(3)
    start_scatter(0)
    wait_scatter(0)
    plsc.subcore_barrier()

    pltpu.sync_copy(acc_sh.at[pl.ds(mol_base, _MOLS_PER_TILE)],
                    out_hbm.at[c, pl.ds(mol_base, _MOLS_PER_TILE)])


_ROWS_BLK = 1000


def _mlp_body(p_ref, w1_ref, b1_ref, w2_ref, b2_ref, out_ref, fp_ref):
    fp = p_ref[0] + p_ref[1]
    fp_ref[...] = fp
    h = jnp.dot(fp, w1_ref[...], preferred_element_type=jnp.float32) + b1_ref[...]
    sp = jnp.maximum(h, 0.0) + jnp.log(1.0 + jnp.exp(-jnp.abs(h))) - _LOG2
    out_ref[...] = jnp.sum(sp * w2_ref[...], axis=1, keepdims=True) + b2_ref[...]


def _mlp_tc(partials, W1, b1r, w2r, b2r):
    grid = (_N_MOLS // _ROWS_BLK,)
    return pl.pallas_call(
        _mlp_body,
        grid=grid,
        in_specs=[
            pl.BlockSpec((_NC, _ROWS_BLK, _FEAT), lambda i: (0, i, 0)),
            pl.BlockSpec((_FEAT, _HID), lambda i: (0, 0)),
            pl.BlockSpec((1, _HID), lambda i: (0, 0)),
            pl.BlockSpec((1, _HID), lambda i: (0, 0)),
            pl.BlockSpec((1, 1), lambda i: (0, 0)),
        ],
        out_specs=[
            pl.BlockSpec((_ROWS_BLK, 1), lambda i: (i, 0)),
            pl.BlockSpec((_ROWS_BLK, _FEAT), lambda i: (i, 0)),
        ],
        out_shape=[
            jax.ShapeDtypeStruct((_N_MOLS, 1), jnp.float32),
            jax.ShapeDtypeStruct((_N_MOLS, _FEAT), jnp.float32),
        ],
    )(partials, W1, b1r, w2r, b2r)


def kernel(feats, segment_ids, W1, b1, W2, b2):
    ids = segment_ids.astype(jnp.int32)
    partials = _segsum_sc(feats, ids)
    out2d, mol_fp = _mlp_tc(partials, W1, b1.reshape(1, _HID),
                            W2.reshape(1, _HID), b2.reshape(1, 1))
    return out2d.reshape(-1), mol_fp

# --- scband reference (transcript-rebuilt; emitter-appended) ---
"""Pipeline reference for scband-mol-fp-pool-6305011991001 (READ-ONLY COPY).

The authoritative reference and input builder live on the scoring server;
editing this copy changes nothing except your own understanding.
"""

import jax, jax.numpy as jnp
import numpy as np

N_ATOMS = 320000
N_MOLS = 10000
FEAT_DIM = 128
HID = 64  # feat_dim / num_out_layers**1 with num_out_layers=2
OUT_DIM = 1


def shifted_softplus(x):
    return jax.nn.softplus(x) - jnp.log(2.0)


def setup_inputs(seed: int = 0) -> dict:
    key = jax.random.key(seed)
    k1, k2, k3, k4, k5, k6 = jax.random.split(key, 6)
    feats = jax.random.normal(k1, (N_ATOMS, FEAT_DIM), dtype=jnp.float32)
    segment_ids = jnp.sort(jax.random.randint(k2, (N_ATOMS,), 0, N_MOLS, dtype=jnp.int64 if jax.config.read('jax_enable_x64') else jnp.int32))
    W1 = jax.random.normal(k3, (FEAT_DIM, HID), dtype=jnp.float32) / np.sqrt(FEAT_DIM)
    b1 = jax.random.normal(k4, (HID,), dtype=jnp.float32) * 0.01
    W2 = jax.random.normal(k5, (HID, OUT_DIM), dtype=jnp.float32) / np.sqrt(HID)
    b2 = jax.random.normal(k6, (OUT_DIM,), dtype=jnp.float32) * 0.01
    return {"feats": feats, "segment_ids": segment_ids, "W1": W1, "b1": b1, "W2": W2, "b2": b2}


def reference(feats, segment_ids, W1, b1, W2, b2):
    # torch.split per-molecule + feats.sum(0) per chunk == segment_sum over sorted segment_ids
    mol_fp = jax.ops.segment_sum(feats, segment_ids, num_segments=N_MOLS)  # [N_MOLS, FEAT_DIM]
    # self.mol_fp_nn: Dense(128->64, shifted_softplus) -> Dense(64->1, None)
    h = shifted_softplus(mol_fp @ W1 + b1)
    out = (h @ W2 + b2).reshape(-1)  # torch.stack(all_outputs).reshape(-1)
    # results[key] = out ; results[f'{key}_features'] = mol_fp
    return out, mol_fp

if __name__ == "__main__":
    import jax
    _d = setup_inputs()
    print(jax.jit(kernel)(*tuple(_d.values())))

</pallas_src>

<mosaic_0001>
#map = affine_map<(d0, d1) -> (0, 0)>
#map1 = affine_map<(d0, d1) -> (0)>
#map2 = affine_map<(d0, d1) -> (0, 0, 0)>
module attributes {stable_mosaic.version = 14 : i64} {
  func.func @_segsum_sc(%arg0: i32, %arg1: i32, %arg2: memref<320000x128xf32, #tpu.memory_space<hbm>>, %arg3: memref<320000xi32, #tpu.memory_space<hbm>>, %arg4: memref<2x10240x128xf32, #tpu.memory_space<hbm>>, %arg5: memref<4x80xi32, #tpu.memory_space<vmem>>, %arg6: memref<4x80x128xf32, #tpu.memory_space<vmem>>, %arg7: memref<10240x128xf32, #tpu.memory_space<vmem_shared>>, %arg8: memref<!tpu.dma_semaphore, #tpu.memory_space<semaphore_mem>>, %arg9: memref<!tpu.dma_semaphore, #tpu.memory_space<semaphore_mem>>, %arg10: memref<!tpu.dma_semaphore, #tpu.memory_space<semaphore_mem>>, %arg11: memref<!tpu.dma_semaphore, #tpu.memory_space<semaphore_mem>>, %arg12: memref<!tpu.dma_semaphore, #tpu.memory_space<semaphore_mem>>, %arg13: memref<!tpu.dma_semaphore, #tpu.memory_space<semaphore_mem>>, %arg14: memref<!tpu.dma_semaphore, #tpu.memory_space<semaphore_mem>>, %arg15: memref<!tpu.dma_semaphore, #tpu.memory_space<semaphore_mem>>, %arg16: memref<!tpu.dma_semaphore, #tpu.memory_space<semaphore_mem>>, %arg17: memref<!tpu.dma_semaphore, #tpu.memory_space<semaphore_mem>>, %arg18: memref<!tpu.dma_semaphore, #tpu.memory_space<semaphore_mem>>, %arg19: memref<!tpu.dma_semaphore, #tpu.memory_space<semaphore_mem>>) attributes {dimension_semantics = [#tpu.dimension_semantics<core_parallel>, #tpu.dimension_semantics<subcore_parallel>], iteration_bounds = array<i64: 2, 16>, scalar_prefetch = 0 : i64, scratch_operands = 15 : i64, tpu.core_type = #tpu.core_type<sc_vector_subcore>, window_params = [{transform_indices = #map}, {transform_indices = #map1}, {transform_indices = #map2}]} {
    %mul3A = arith.constant 16 : i32
    %mul3A_0 = arith.muli %arg0, %mul3A : i32
    %add3A = arith.addi %mul3A_0, %arg1 : i32
    %mul3A_1 = arith.constant 10000 : i32
    %mul3A_2 = arith.muli %add3A, %mul3A_1 : i32
    %add3A_3 = arith.constant 80 : i32
    %add3A_4 = arith.addi %mul3A_2, %add3A_3 : i32
    %dma_start3A = arith.constant 1 : i32
    %dma_start3A_5 = arith.constant 0 : i32
    %dma_start3A_6 = tpu.memref_slice %arg5[%dma_start3A, %dma_start3A_5] : memref<4x80xi32, #tpu.memory_space<vmem>> -> memref<1x80xi32, #tpu.memory_space<vmem>>
    %dma_start3A_7 = tpu.memref_squeeze %dma_start3A_6 : memref<1x80xi32, #tpu.memory_space<vmem>> -> memref<80xi32, #tpu.memory_space<vmem>>
    %dma_start3A_8 = tpu.memref_slice %arg3[%add3A_4] : memref<320000xi32, #tpu.memory_space<hbm>> -> memref<80xi32, #tpu.memory_space<hbm>>
    %dma_start3A_9 = arith.constant 0 : i32
    %dma_start3A_10 = tpu.memref_slice %arg5[%dma_start3A, %dma_start3A_9] : memref<4x80xi32, #tpu.memory_space<vmem>> -> memref<1x80xi32, #tpu.memory_space<vmem>>
    %dma_start3A_11 = tpu.memref_squeeze %dma_start3A_10 : memref<1x80xi32, #tpu.memory_space<vmem>> -> memref<80xi32, #tpu.memory_space<vmem>>
    %dma_start3A_12 = tpu.memref_slice %arg3[%add3A_4] : memref<320000xi32, #tpu.memory_space<hbm>> -> memref<80xi32, #tpu.memory_space<hbm>>
    tpu.enqueue_dma source(%dma_start3A_12 : memref<80xi32, #tpu.memory_space<hbm>>) target(%dma_start3A_11 : memref<80xi32, #tpu.memory_space<vmem>>) target_semaphore(%arg13 : memref<!tpu.dma_semaphore, #tpu.memory_space<semaphore_mem>>)
    %dma_start3A_13 = arith.constant 1 : i32
    %dma_start3A_14 = arith.constant 0 : i32
    %dma_start3A_15 = arith.constant 0 : i32
    %dma_start3A_16 = tpu.memref_slice %arg6[%dma_start3A_13, %dma_start3A_14, %dma_start3A_15] : memref<4x80x128xf32, #tpu.memory_space<vmem>> -> memref<1x80x128xf32, #tpu.memory_space<vmem>>
    %dma_start3A_17 = tpu.memref_squeeze %dma_start3A_16 : memref<1x80x128xf32, #tpu.memory_space<vmem>> -> memref<80x128xf32, #tpu.memory_space<vmem>>
    %dma_start3A_18 = arith.constant 0 : i32
    %dma_start3A_19 = tpu.memref_slice %arg2[%add3A_4, %dma_start3A_18] : memref<320000x128xf32, #tpu.memory_space<hbm>> -> memref<80x128xf32, #tpu.memory_space<hbm>>
    %dma_start3A_20 = arith.constant 0 : i32
    %dma_start3A_21 = arith.constant 0 : i32
    %dma_start3A_22 = tpu.memref_slice %arg6[%dma_start3A_13, %dma_start3A_20, %dma_start3A_21] : memref<4x80x128xf32, #tpu.memory_space<vmem>> -> memref<1x80x128xf32, #tpu.memory_space<vmem>>
    %dma_start3A_23 = tpu.memref_squeeze %dma_start3A_22 : memref<1x80x128xf32, #tpu.memory_space<vmem>> -> memref<80x128xf32, #tpu.memory_space<vmem>>
    %dma_start3A_24 = arith.constant 0 : i32
    %dma_start3A_25 = tpu.memref_slice %arg2[%add3A_4, %dma_start3A_24] : memref<320000x128xf32, #tpu.memory_space<hbm>> -> memref<80x128xf32, #tpu.memory_space<hbm>>
    tpu.enqueue_dma source(%dma_start3A_25 : memref<80x128xf32, #tpu.memory_space<hbm>>) target(%dma_start3A_23 : memref<80x128xf32, #tpu.memory_space<vmem>>) target_semaphore(%arg9 : memref<!tpu.dma_semaphore, #tpu.memory_space<semaphore_mem>>)
    %add3A_26 = arith.constant 160 : i32
    %add3A_27 = arith.addi %mul3A_2, %add3A_26 : i32
    %dma_start3A_28 = arith.constant 2 : i32
    %dma_start3A_29 = arith.constant 0 : i32
    %dma_start3A_30 = tpu.memref_slice %arg5[%dma_start3A_28, %dma_start3A_29] : memref<4x80xi32, #tpu.memory_space<vmem>> -> memref<1x80xi32, #tpu.memory_space<vmem>>
    %dma_start3A_31 = tpu.memref_squeeze %dma_start3A_30 : memref<1x80xi32, #tpu.memory_space<vmem>> -> memref<80xi32, #tpu.memory_space<vmem>>
    %dma_start3A_32 = tpu.memref_slice %arg3[%add3A_27] : memref<320000xi32, #tpu.memory_space<hbm>> -> memref<80xi32, #tpu.memory_space<hbm>>
    %dma_start3A_33 = arith.constant 0 : i32
    %dma_start3A_34 = tpu.memref_slice %arg5[%dma_start3A_28, %dma_start3A_33] : memref<4x80xi32, #tpu.memory_space<vmem>> -> memref<1x80xi32, #tpu.memory_space<vmem>>
    %dma_start3A_35 = tpu.memref_squeeze %dma_start3A_34 : memref<1x80xi32, #tpu.memory_space<vmem>> -> memref<80xi32, #tpu.memory_space<vmem>>
    %dma_start3A_36 = tpu.memref_slice %arg3[%add3A_27] : memref<320000xi32, #tpu.memory_space<hbm>> -> memref<80xi32, #tpu.memory_space<hbm>>
    tpu.enqueue_dma source(%dma_start3A_36 : memref<80xi32, #tpu.memory_space<hbm>>) target(%dma_start3A_35 : memref<80xi32, #tpu.memory_space<vmem>>) target_semaphore(%arg14 : memref<!tpu.dma_semaphore, #tpu.memory_space<semaphore_mem>>)
    %dma_start3A_37 = arith.constant 2 : i32
    %dma_start3A_38 = arith.constant 0 : i32
    %dma_start3A_39 = arith.constant 0 : i32
    %dma_start3A_40 = tpu.memref_slice %arg6[%dma_start3A_37, %dma_start3A_38, %dma_start3A_39] : memref<4x80x128xf32, #tpu.memory_space<vmem>> -> memref<1x80x128xf32, #tpu.memory_space<vmem>>
    %dma_start3A_41 = tpu.memref_squeeze %dma_start3A_40 : memref<1x80x128xf32, #tpu.memory_space<vmem>> -> memref<80x128xf32, #tpu.memory_space<vmem>>
    %dma_start3A_42 = arith.constant 0 : i32
    %dma_start3A_43 = tpu.memref_slice %arg2[%add3A_27, %dma_start3A_42] : memref<320000x128xf32, #tpu.memory_space<hbm>> -> memref<80x128xf32, #tpu.memory_space<hbm>>
    %dma_start3A_44 = arith.constant 0 : i32
    %dma_start3A_45 = arith.constant 0 : i32
    %dma_start3A_46 = tpu.memref_slice %arg6[%dma_start3A_37, %dma_start3A_44, %dma_start3A_45] : memref<4x80x128xf32, #tpu.memory_space<vmem>> -> memref<1x80x128xf32, #tpu.memory_space<vmem>>
    %dma_start3A_47 = tpu.memref_squeeze %dma_start3A_46 : memref<1x80x128xf32, #tpu.memory_space<vmem>> -> memref<80x128xf32, #tpu.memory_space<vmem>>
    %dma_start3A_48 = arith.constant 0 : i32
    %dma_start3A_49 = tpu.memref_slice %arg2[%add3A_27, %dma_start3A_48] : memref<320000x128xf32, #tpu.memory_space<hbm>> -> memref<80x128xf32, #tpu.memory_space<hbm>>
    tpu.enqueue_dma source(%dma_start3A_49 : memref<80x128xf32, #tpu.memory_space<hbm>>) target(%dma_start3A_47 : memref<80x128xf32, #tpu.memory_space<vmem>>) target_semaphore(%arg10 : memref<!tpu.dma_semaphore, #tpu.memory_space<semaphore_mem>>)
    %broadcast_in_dim3A = arith.constant 0.000000e+00 : f32
    %broadcast_in_dim3A_50 = vector.broadcast %broadcast_in_dim3A : f32 to vector<16xf32>
    %scan3A = arith.constant 0 : i32
    %scan3A_51 = arith.constant 0 : i32
    %scan3A_52 = arith.constant 640 : i32
    %scan3A_53 = arith.addi %scan3A_51, %scan3A_52 : i32
    %scan3A_54 = arith.constant 1 : i32
    scf.for %scan3A_171 = %scan3A_51 to %scan3A_53 step %scan3A_54  : i32 {
      %jit3A = arith.constant 8 : i32
      %div3A = arith.divsi %scan3A_171, %jit3A : i32
      %sign3A = arith.constant 0 : i32
      %sign3A_172 = arith.cmpi sgt, %scan3A_171, %sign3A : i32
      %sign3A_173 = arith.extui %sign3A_172 : i1 to i32
      %sign3A_174 = arith.constant 0 : i32
      %sign3A_175 = arith.cmpi slt, %scan3A_171, %sign3A_174 : i32
      %sign3A_176 = arith.extui %sign3A_175 : i1 to i32
      %sign3A_177 = arith.subi %sign3A_173, %sign3A_176 : i32
      %sign3A_178 = arith.constant 0 : i32
      %sign3A_179 = arith.cmpi sgt, %jit3A, %sign3A_178 : i32
      %sign3A_180 = arith.extui %sign3A_179 : i1 to i32
      %sign3A_181 = arith.constant 0 : i32
      %sign3A_182 = arith.cmpi slt, %jit3A, %sign3A_181 : i32
      %sign3A_183 = arith.extui %sign3A_182 : i1 to i32
      %sign3A_184 = arith.subi %sign3A_180, %sign3A_183 : i32
      %ne3A = arith.cmpi ne, %sign3A_177, %sign3A_184 : i32
      %rem3A = arith.remsi %scan3A_171, %jit3A : i32
      %ne3A_185 = arith.constant 0 : i32
      %ne3A_186 = arith.cmpi ne, %rem3A, %ne3A_185 : i32
      %and3A = arith.andi %ne3A, %ne3A_186 : i1
      %sub3A = arith.constant 1 : i32
      %sub3A_187 = arith.subi %div3A, %sub3A : i32
      %select_n3A = arith.select %and3A, %sub3A_187, %div3A : i32
      %jit3A_188 = arith.constant 8 : i32
      %eq3A = arith.constant 0 : i32
      %eq3A_189 = arith.cmpi eq, %jit3A_188, %eq3A : i32
      %jit3A_190 = arith.constant 1 : i32
      %select_n3A_191 = arith.select %eq3A_189, %jit3A_190, %jit3A_188 : i32
      %rem3A_192 = arith.remsi %scan3A_171, %select_n3A_191 : i32
      %ne3A_193 = arith.constant 0 : i32
      %ne3A_194 = arith.cmpi ne, %rem3A_192, %ne3A_193 : i32
      %lt3A = arith.constant 0 : i32
      %lt3A_195 = arith.cmpi slt, %rem3A_192, %lt3A : i32
      %lt3A_196 = arith.constant 0 : i32
      %lt3A_197 = arith.cmpi slt, %select_n3A_191, %lt3A_196 : i32
      %ne3A_198 = arith.xori %lt3A_195, %lt3A_197 : i1
      %and3A_199 = arith.andi %ne3A_198, %ne3A_194 : i1
      %add3A_200 = arith.addi %rem3A_192, %select_n3A_191 : i32
      %select_n3A_201 = arith.select %and3A_199, %add3A_200, %rem3A_192 : i32
      %mul3A_202 = arith.constant 16 : i32
      %mul3A_203 = arith.muli %select_n3A_201, %mul3A_202 : i32
      %swap3A = arith.constant 0 : i32
      %swap3A_204 = arith.index_cast %swap3A : i32 to index
      %swap3A_205 = arith.index_cast %select_n3A : i32 to index
      %swap3A_206 = arith.index_cast %mul3A_203 : i32 to index
      %swap3A_207 = tpu.vector_load %arg6[%swap3A_204, %swap3A_205, %swap3A_206] {strides = array<i32>} : memref<4x80x128xf32, #tpu.memory_space<vmem>>, vector<1x1x16xf32>,
      %swap3A_208 = vector.shape_cast %swap3A_207 : vector<1x1x16xf32> to vector<16xf32>
      %swap3A_209 = vector.shape_cast %broadcast_in_dim3A_50 : vector<16xf32> to vector<1x1x16xf32>
      tpu.vector_store %arg6[%swap3A_204, %swap3A_205, %swap3A_206], %swap3A_209 {strides = array<i32>} : memref<4x80x128xf32, #tpu.memory_space<vmem>>, vector<1x1x16xf32>,
    }
    %scan3A_55 = arith.constant 640 : i32
    %mul3A_56 = arith.constant 640 : i32
    %mul3A_57 = arith.muli %arg1, %mul3A_56 : i32
    %add3A_58 = arith.constant 0 : i32
    %add3A_59 = arith.addi %mul3A_57, %add3A_58 : i32
    %run_scoped3A = arith.constant 0 : i32
    "tpu.region"() ({
      %run_scoped3A_171 = tpu.sem_alloc : memref<!tpu.dma_semaphore, #tpu.memory_space<semaphore_mem>>
      %dma_start3A_172 = arith.constant 0 : i32
      %dma_start3A_173 = arith.constant 0 : i32
      %dma_start3A_174 = tpu.memref_slice %arg6[%run_scoped3A, %dma_start3A_172, %dma_start3A_173] : memref<4x80x128xf32, #tpu.memory_space<vmem>> -> memref<1x80x128xf32, #tpu.memory_space<vmem>>
      %dma_start3A_175 = tpu.memref_squeeze %dma_start3A_174 : memref<1x80x128xf32, #tpu.memory_space<vmem>> -> memref<80x128xf32, #tpu.memory_space<vmem>>
      %dma_start3A_176 = arith.constant 0 : i32
      %dma_start3A_177 = tpu.memref_slice %arg7[%add3A_59, %dma_start3A_176] : memref<10240x128xf32, #tpu.memory_space<vmem_shared>> -> memref<80x128xf32, #tpu.memory_space<vmem_shared>>
      %dma_start3A_178 = arith.constant 0 : i32
      %dma_start3A_179 = tpu.memref_slice %arg7[%add3A_59, %dma_start3A_178] : memref<10240x128xf32, #tpu.memory_space<vmem_shared>> -> memref<80x128xf32, #tpu.memory_space<vmem_shared>>
      %dma_start3A_180 = arith.constant 0 : i32
      %dma_start3A_181 = arith.constant 0 : i32
      %dma_start3A_182 = tpu.memref_slice %arg6[%run_scoped3A, %dma_start3A_180, %dma_start3A_181] : memref<4x80x128xf32, #tpu.memory_space<vmem>> -> memref<1x80x128xf32, #tpu.memory_space<vmem>>
      %dma_start3A_183 = tpu.memref_squeeze %dma_start3A_182 : memref<1x80x128xf32, #tpu.memory_space<vmem>> -> memref<80x128xf32, #tpu.memory_space<vmem>>
      tpu.enqueue_dma source(%dma_start3A_183 : memref<80x128xf32, #tpu.memory_space<vmem>>) target(%dma_start3A_179 : memref<80x128xf32, #tpu.memory_space<vmem_shared>>) target_semaphore(%run_scoped3A_171 : memref<!tpu.dma_semaphore, #tpu.memory_space<semaphore_mem>>)
      %dma_wait3A_184 = arith.constant 0 : i32
      %dma_wait3A_185 = arith.constant 0 : i32
      %dma_wait3A_186 = tpu.memref_slice %arg6[%run_scoped3A, %dma_wait3A_184, %dma_wait3A_185] : memref<4x80x128xf32, #tpu.memory_space<vmem>> -> memref<1x80x128xf32, #tpu.memory_space<vmem>>
      %dma_wait3A_187 = tpu.memref_squeeze %dma_wait3A_186 : memref<1x80x128xf32, #tpu.memory_space<vmem>> -> memref<80x128xf32, #tpu.memory_space<vmem>>
      %dma_wait3A_188 = arith.constant 0 : i32
      %dma_wait3A_189 = tpu.memref_slice %arg7[%add3A_59, %dma_wait3A_188] : memref<10240x128xf32, #tpu.memory_space<vmem_shared>> -> memref<80x128xf32, #tpu.memory_space<vmem_shared>>
      %dma_wait3A_190 = arith.constant 0 : i32
      %dma_wait3A_191 = tpu.memref_slice %arg7[%add3A_59, %dma_wait3A_190] : memref<10240x128xf32, #tpu.memory_space<vmem_shared>> -> memref<80x128xf32, #tpu.memory_space<vmem_shared>>
      %dma_wait3A_192 = arith.constant 0 : i32
      %dma_wait3A_193 = arith.constant 0 : i32
      %dma_wait3A_194 = tpu.memref_slice %arg6[%run_scoped3A, %dma_wait3A_192, %dma_wait3A_193] : memref<4x80x128xf32, #tpu.memory_space<vmem>> -> memref<1x80x128xf32, #tpu.memory_space<vmem>>
      %dma_wait3A_195 = tpu.memref_squeeze %dma_wait3A_194 : memref<1x80x128xf32, #tpu.memory_space<vmem>> -> memref<80x128xf32, #tpu.memory_space<vmem>>
      tpu.wait_dma2 semaphore(%run_scoped3A_171 : memref<!tpu.dma_semaphore, #tpu.memory_space<semaphore_mem>>) src(%dma_wait3A_195 : memref<80x128xf32, #tpu.memory_space<vmem>>) dst(%dma_wait3A_191 : memref<80x128xf32, #tpu.memory_space<vmem_shared>>)
      tpu.yield
    }) : () -> ()
    %add3A_60 = arith.constant 80 : i32
    %add3A_61 = arith.addi %mul3A_57, %add3A_60 : i32
    %run_scoped3A_62 = arith.constant 0 : i32
    "tpu.region"() ({
      %run_scoped3A_171 = tpu.sem_alloc : memref<!tpu.dma_semaphore, #tpu.memory_space<semaphore_mem>>
      %dma_start3A_172 = arith.constant 0 : i32
      %dma_start3A_173 = arith.constant 0 : i32
      %dma_start3A_174 = tpu.memref_slice %arg6[%run_scoped3A_62, %dma_start3A_172, %dma_start3A_173] : memref<4x80x128xf32, #tpu.memory_space<vmem>> -> memref<1x80x128xf32, #tpu.memory_space<vmem>>
      %dma_start3A_175 = tpu.memref_squeeze %dma_start3A_174 : memref<1x80x128xf32, #tpu.memory_space<vmem>> -> memref<80x128xf32, #tpu.memory_space<vmem>>
      %dma_start3A_176 = arith.constant 0 : i32
      %dma_start3A_177 = tpu.memref_slice %arg7[%add3A_61, %dma_start3A_176] : memref<10240x128xf32, #tpu.memory_space<vmem_shared>> -> memref<80x128xf32, #tpu.memory_space<vmem_shared>>
      %dma_start3A_178 = arith.constant 0 : i32
      %dma_start3A_179 = tpu.memref_slice %arg7[%add3A_61, %dma_start3A_178] : memref<10240x128xf32, #tpu.memory_space<vmem_shared>> -> memref<80x128xf32, #tpu.memory_space<vmem_shared>>
      %dma_start3A_180 = arith.constant 0 : i32
      %dma_start3A_181 = arith.constant 0 : i32
      %dma_start3A_182 = tpu.memref_slice %arg6[%run_scoped3A_62, %dma_start3A_180, %dma_start3A_181] : memref<4x80x128xf32, #tpu.memory_space<vmem>> -> memref<1x80x128xf32, #tpu.memory_space<vmem>>
      %dma_start3A_183 = tpu.memref_squeeze %dma_start3A_182 : memref<1x80x128xf32, #tpu.memory_space<vmem>> -> memref<80x128xf32, #tpu.memory_space<vmem>>
      tpu.enqueue_dma source(%dma_start3A_183 : memref<80x128xf32, #tpu.memory_space<vmem>>) target(%dma_start3A_179 : memref<80x128xf32, #tpu.memory_space<vmem_shared>>) target_semaphore(%run_scoped3A_171 : memref<!tpu.dma_semaphore, #tpu.memory_space<semaphore_mem>>)
      %dma_wait3A_184 = arith.constant 0 : i32
      %dma_wait3A_185 = arith.constant 0 : i32
      %dma_wait3A_186 = tpu.memref_slice %arg6[%run_scoped3A_62, %dma_wait3A_184, %dma_wait3A_185] : memref<4x80x128xf32, #tpu.memory_space<vmem>> -> memref<1x80x128xf32, #tpu.memory_space<vmem>>
      %dma_wait3A_187 = tpu.memref_squeeze %dma_wait3A_186 : memref<1x80x128xf32, #tpu.memory_space<vmem>> -> memref<80x128xf32, #tpu.memory_space<vmem>>
      %dma_wait3A_188 = arith.constant 0 : i32
      %dma_wait3A_189 = tpu.memref_slice %arg7[%add3A_61, %dma_wait3A_188] : memref<10240x128xf32, #tpu.memory_space<vmem_shared>> -> memref<80x128xf32, #tpu.memory_space<vmem_shared>>
      %dma_wait3A_190 = arith.constant 0 : i32
      %dma_wait3A_191 = tpu.memref_slice %arg7[%add3A_61, %dma_wait3A_190] : memref<10240x128xf32, #tpu.memory_space<vmem_shared>> -> memref<80x128xf32, #tpu.memory_space<vmem_shared>>
      %dma_wait3A_192 = arith.constant 0 : i32
      %dma_wait3A_193 = arith.constant 0 : i32
      %dma_wait3A_194 = tpu.memref_slice %arg6[%run_scoped3A_62, %dma_wait3A_192, %dma_wait3A_193] : memref<4x80x128xf32, #tpu.memory_space<vmem>> -> memref<1x80x128xf32, #tpu.memory_space<vmem>>
      %dma_wait3A_195 = tpu.memref_squeeze %dma_wait3A_194 : memref<1x80x128xf32, #tpu.memory_space<vmem>> -> memref<80x128xf32, #tpu.memory_space<vmem>>
      tpu.wait_dma2 semaphore(%run_scoped3A_171 : memref<!tpu.dma_semaphore, #tpu.memory_space<semaphore_mem>>) src(%dma_wait3A_195 : memref<80x128xf32, #tpu.memory_space<vmem>>) dst(%dma_wait3A_191 : memref<80x128xf32, #tpu.memory_space<vmem_shared>>)
      tpu.yield
    }) : () -> ()
    %add3A_63 = arith.constant 160 : i32
    %add3A_64 = arith.addi %mul3A_57, %add3A_63 : i32
    %run_scoped3A_65 = arith.constant 0 : i32
    "tpu.region"() ({
      %run_scoped3A_171 = tpu.sem_alloc : memref<!tpu.dma_semaphore, #tpu.memory_space<semaphore_mem>>
      %dma_start3A_172 = arith.constant 0 : i32
      %dma_start3A_173 = arith.constant 0 : i32
      %dma_start3A_174 = tpu.memref_slice %arg6[%run_scoped3A_65, %dma_start3A_172, %dma_start3A_173] : memref<4x80x128xf32, #tpu.memory_space<vmem>> -> memref<1x80x128xf32, #tpu.memory_space<vmem>>
      %dma_start3A_175 = tpu.memref_squeeze %dma_start3A_174 : memref<1x80x128xf32, #tpu.memory_space<vmem>> -> memref<80x128xf32, #tpu.memory_space<vmem>>
      %dma_start3A_176 = arith.constant 0 : i32
      %dma_start3A_177 = tpu.memref_slice %arg7[%add3A_64, %dma_start3A_176] : memref<10240x128xf32, #tpu.memory_space<vmem_shared>> -> memref<80x128xf32, #tpu.memory_space<vmem_shared>>
      %dma_start3A_178 = arith.constant 0 : i32
      %dma_start3A_179 = tpu.memref_slice %arg7[%add3A_64, %dma_start3A_178] : memref<10240x128xf32, #tpu.memory_space<vmem_shared>> -> memref<80x128xf32, #tpu.memory_space<vmem_shared>>
      %dma_start3A_180 = arith.constant 0 : i32
      %dma_start3A_181 = arith.constant 0 : i32
      %dma_start3A_182 = tpu.memref_slice %arg6[%run_scoped3A_65, %dma_start3A_180, %dma_start3A_181] : memref<4x80x128xf32, #tpu.memory_space<vmem>> -> memref<1x80x128xf32, #tpu.memory_space<vmem>>
      %dma_start3A_183 = tpu.memref_squeeze %dma_start3A_182 : memref<1x80x128xf32, #tpu.memory_space<vmem>> -> memref<80x128xf32, #tpu.memory_space<vmem>>
      tpu.enqueue_dma source(%dma_start3A_183 : memref<80x128xf32, #tpu.memory_space<vmem>>) target(%dma_start3A_179 : memref<80x128xf32, #tpu.memory_space<vmem_shared>>) target_semaphore(%run_scoped3A_171 : memref<!tpu.dma_semaphore, #tpu.memory_space<semaphore_mem>>)
      %dma_wait3A_184 = arith.constant 0 : i32
      %dma_wait3A_185 = arith.constant 0 : i32
      %dma_wait3A_186 = tpu.memref_slice %arg6[%run_scoped3A_65, %dma_wait3A_184, %dma_wait3A_185] : memref<4x80x128xf32, #tpu.memory_space<vmem>> -> memref<1x80x128xf32, #tpu.memory_space<vmem>>
      %dma_wait3A_187 = tpu.memref_squeeze %dma_wait3A_186 : memref<1x80x128xf32, #tpu.memory_space<vmem>> -> memref<80x128xf32, #tpu.memory_space<vmem>>
      %dma_wait3A_188 = arith.constant 0 : i32
      %dma_wait3A_189 = tpu.memref_slice %arg7[%add3A_64, %dma_wait3A_188] : memref<10240x128xf32, #tpu.memory_space<vmem_shared>> -> memref<80x128xf32, #tpu.memory_space<vmem_shared>>
      %dma_wait3A_190 = arith.constant 0 : i32
      %dma_wait3A_191 = tpu.memref_slice %arg7[%add3A_64, %dma_wait3A_190] : memref<10240x128xf32, #tpu.memory_space<vmem_shared>> -> memref<80x128xf32, #tpu.memory_space<vmem_shared>>
      %dma_wait3A_192 = arith.constant 0 : i32
      %dma_wait3A_193 = arith.constant 0 : i32
      %dma_wait3A_194 = tpu.memref_slice %arg6[%run_scoped3A_65, %dma_wait3A_192, %dma_wait3A_193] : memref<4x80x128xf32, #tpu.memory_space<vmem>> -> memref<1x80x128xf32, #tpu.memory_space<vmem>>
      %dma_wait3A_195 = tpu.memref_squeeze %dma_wait3A_194 : memref<1x80x128xf32, #tpu.memory_space<vmem>> -> memref<80x128xf32, #tpu.memory_space<vmem>>
      tpu.wait_dma2 semaphore(%run_scoped3A_171 : memref<!tpu.dma_semaphore, #tpu.memory_space<semaphore_mem>>) src(%dma_wait3A_195 : memref<80x128xf32, #tpu.memory_space<vmem>>) dst(%dma_wait3A_191 : memref<80x128xf32, #tpu.memory_space<vmem_shared>>)
      tpu.yield
    }) : () -> ()
    %add3A_66 = arith.constant 240 : i32
    %add3A_67 = arith.addi %mul3A_57, %add3A_66 : i32
    %run_scoped3A_68 = arith.constant 0 : i32
    "tpu.region"() ({
      %run_scoped3A_171 = tpu.sem_alloc : memref<!tpu.dma_semaphore, #tpu.memory_space<semaphore_mem>>
      %dma_start3A_172 = arith.constant 0 : i32
      %dma_start3A_173 = arith.constant 0 : i32
      %dma_start3A_174 = tpu.memref_slice %arg6[%run_scoped3A_68, %dma_start3A_172, %dma_start3A_173] : memref<4x80x128xf32, #tpu.memory_space<vmem>> -> memref<1x80x128xf32, #tpu.memory_space<vmem>>
      %dma_start3A_175 = tpu.memref_squeeze %dma_start3A_174 : memref<1x80x128xf32, #tpu.memory_space<vmem>> -> memref<80x128xf32, #tpu.memory_space<vmem>>
      %dma_start3A_176 = arith.constant 0 : i32
      %dma_start3A_177 = tpu.memref_slice %arg7[%add3A_67, %dma_start3A_176] : memref<10240x128xf32, #tpu.memory_space<vmem_shared>> -> memref<80x128xf32, #tpu.memory_space<vmem_shared>>
      %dma_start3A_178 = arith.constant 0 : i32
      %dma_start3A_179 = tpu.memref_slice %arg7[%add3A_67, %dma_start3A_178] : memref<10240x128xf32, #tpu.memory_space<vmem_shared>> -> memref<80x128xf32, #tpu.memory_space<vmem_shared>>
      %dma_start3A_180 = arith.constant 0 : i32
      %dma_start3A_181 = arith.constant 0 : i32
      %dma_start3A_182 = tpu.memref_slice %arg6[%run_scoped3A_68, %dma_start3A_180, %dma_start3A_181] : memref<4x80x128xf32, #tpu.memory_space<vmem>> -> memref<1x80x128xf32, #tpu.memory_space<vmem>>
      %dma_start3A_183 = tpu.memref_squeeze %dma_start3A_182 : memref<1x80x128xf32, #tpu.memory_space<vmem>> -> memref<80x128xf32, #tpu.memory_space<vmem>>
      tpu.enqueue_dma source(%dma_start3A_183 : memref<80x128xf32, #tpu.memory_space<vmem>>) target(%dma_start3A_179 : memref<80x128xf32, #tpu.memory_space<vmem_shared>>) target_semaphore(%run_scoped3A_171 : memref<!tpu.dma_semaphore, #tpu.memory_space<semaphore_mem>>)
      %dma_wait3A_184 = arith.constant 0 : i32
      %dma_wait3A_185 = arith.constant 0 : i32
      %dma_wait3A_186 = tpu.memref_slice %arg6[%run_scoped3A_68, %dma_wait3A_184, %dma_wait3A_185] : memref<4x80x128xf32, #tpu.memory_space<vmem>> -> memref<1x80x128xf32, #tpu.memory_space<vmem>>
      %dma_wait3A_187 = tpu.memref_squeeze %dma_wait3A_186 : memref<1x80x128xf32, #tpu.memory_space<vmem>> -> memref<80x128xf32, #tpu.memory_space<vmem>>
      %dma_wait3A_188 = arith.constant 0 : i32
      %dma_wait3A_189 = tpu.memref_slice %arg7[%add3A_67, %dma_wait3A_188] : memref<10240x128xf32, #tpu.memory_space<vmem_shared>> -> memref<80x128xf32, #tpu.memory_space<vmem_shared>>
      %dma_wait3A_190 = arith.constant 0 : i32
      %dma_wait3A_191 = tpu.memref_slice %arg7[%add3A_67, %dma_wait3A_190] : memref<10240x128xf32, #tpu.memory_space<vmem_shared>> -> memref<80x128xf32, #tpu.memory_space<vmem_shared>>
      %dma_wait3A_192 = arith.constant 0 : i32
      %dma_wait3A_193 = arith.constant 0 : i32
      %dma_wait3A_194 = tpu.memref_slice %arg6[%run_scoped3A_68, %dma_wait3A_192, %dma_wait3A_193] : memref<4x80x128xf32, #tpu.memory_space<vmem>> -> memref<1x80x128xf32, #tpu.memory_space<vmem>>
      %dma_wait3A_195 = tpu.memref_squeeze %dma_wait3A_194 : memref<1x80x128xf32, #tpu.memory_space<vmem>> -> memref<80x128xf32, #tpu.memory_space<vmem>>
      tpu.wait_dma2 semaphore(%run_scoped3A_171 : memref<!tpu.dma_semaphore, #tpu.memory_space<semaphore_mem>>) src(%dma_wait3A_195 : memref<80x128xf32, #tpu.memory_space<vmem>>) dst(%dma_wait3A_191 : memref<80x128xf32, #tpu.memory_space<vmem_shared>>)
      tpu.yield
    }) : () -> ()
    %add3A_69 = arith.constant 320 : i32
    %add3A_70 = arith.addi %mul3A_57, %add3A_69 : i32
    %run_scoped3A_71 = arith.constant 0 : i32
    "tpu.region"() ({
      %run_scoped3A_171 = tpu.sem_alloc : memref<!tpu.dma_semaphore, #tpu.memory_space<semaphore_mem>>
      %dma_start3A_172 = arith.constant 0 : i32
      %dma_start3A_173 = arith.constant 0 : i32
      %dma_start3A_174 = tpu.memref_slice %arg6[%run_scoped3A_71, %dma_start3A_172, %dma_start3A_173] : memref<4x80x128xf32, #tpu.memory_space<vmem>> -> memref<1x80x128xf32, #tpu.memory_space<vmem>>
      %dma_start3A_175 = tpu.memref_squeeze %dma_start3A_174 : memref<1x80x128xf32, #tpu.memory_space<vmem>> -> memref<80x128xf32, #tpu.memory_space<vmem>>
      %dma_start3A_176 = arith.constant 0 : i32
      %dma_start3A_177 = tpu.memref_slice %arg7[%add3A_70, %dma_start3A_176] : memref<10240x128xf32, #tpu.memory_space<vmem_shared>> -> memref<80x128xf32, #tpu.memory_space<vmem_shared>>
      %dma_start3A_178 = arith.constant 0 : i32
      %dma_start3A_179 = tpu.memref_slice %arg7[%add3A_70, %dma_start3A_178] : memref<10240x128xf32, #tpu.memory_space<vmem_shared>> -> memref<80x128xf32, #tpu.memory_space<vmem_shared>>
      %dma_start3A_180 = arith.constant 0 : i32
      %dma_start3A_181 = arith.constant 0 : i32
      %dma_start3A_182 = tpu.memref_slice %arg6[%run_scoped3A_71, %dma_start3A_180, %dma_start3A_181] : memref<4x80x128xf32, #tpu.memory_space<vmem>> -> memref<1x80x128xf32, #tpu.memory_space<vmem>>
      %dma_start3A_183 = tpu.memref_squeeze %dma_start3A_182 : memref<1x80x128xf32, #tpu.memory_space<vmem>> -> memref<80x128xf32, #tpu.memory_space<vmem>>
      tpu.enqueue_dma source(%dma_start3A_183 : memref<80x128xf32, #tpu.memory_space<vmem>>) target(%dma_start3A_179 : memref<80x128xf32, #tpu.memory_space<vmem_shared>>) target_semaphore(%run_scoped3A_171 : memref<!tpu.dma_semaphore, #tpu.memory_space<semaphore_mem>>)
      %dma_wait3A_184 = arith.constant 0 : i32
      %dma_wait3A_185 = arith.constant 0 : i32
      %dma_wait3A_186 = tpu.memref_slice %arg6[%run_scoped3A_71, %dma_wait3A_184, %dma_wait3A_185] : memref<4x80x128xf32, #tpu.memory_space<vmem>> -> memref<1x80x128xf32, #tpu.memory_space<vmem>>
      %dma_wait3A_187 = tpu.memref_squeeze %dma_wait3A_186 : memref<1x80x128xf32, #tpu.memory_space<vmem>> -> memref<80x128xf32, #tpu.memory_space<vmem>>
      %dma_wait3A_188 = arith.constant 0 : i32
      %dma_wait3A_189 = tpu.memref_slice %arg7[%add3A_70, %dma_wait3A_188] : memref<10240x128xf32, #tpu.memory_space<vmem_shared>> -> memref<80x128xf32, #tpu.memory_space<vmem_shared>>
      %dma_wait3A_190 = arith.constant 0 : i32
      %dma_wait3A_191 = tpu.memref_slice %arg7[%add3A_70, %dma_wait3A_190] : memref<10240x128xf32, #tpu.memory_space<vmem_shared>> -> memref<80x128xf32, #tpu.memory_space<vmem_shared>>
      %dma_wait3A_192 = arith.constant 0 : i32
      %dma_wait3A_193 = arith.constant 0 : i32
      %dma_wait3A_194 = tpu.memref_slice %arg6[%run_scoped3A_71, %dma_wait3A_192, %dma_wait3A_193] : memref<4x80x128xf32, #tpu.memory_space<vmem>> -> memref<1x80x128xf32, #tpu.memory_space<vmem>>
      %dma_wait3A_195 = tpu.memref_squeeze %dma_wait3A_194 : memref<1x80x128xf32, #tpu.memory_space<vmem>> -> memref<80x128xf32, #tpu.memory_space<vmem>>
      tpu.wait_dma2 semaphore(%run_scoped3A_171 : memref<!tpu.dma_semaphore, #tpu.memory_space<semaphore_mem>>) src(%dma_wait3A_195 : memref<80x128xf32, #tpu.memory_space<vmem>>) dst(%dma_wait3A_191 : memref<80x128xf32, #tpu.memory_space<vmem_shared>>)
      tpu.yield
    }) : () -> ()
    %add3A_72 = arith.constant 400 : i32
    %add3A_73 = arith.addi %mul3A_57, %add3A_72 : i32
    %run_scoped3A_74 = arith.constant 0 : i32
    "tpu.region"() ({
      %run_scoped3A_171 = tpu.sem_alloc : memref<!tpu.dma_semaphore, #tpu.memory_space<semaphore_mem>>
      %dma_start3A_172 = arith.constant 0 : i32
      %dma_start3A_173 = arith.constant 0 : i32
      %dma_start3A_174 = tpu.memref_slice %arg6[%run_scoped3A_74, %dma_start3A_172, %dma_start3A_173] : memref<4x80x128xf32, #tpu.memory_space<vmem>> -> memref<1x80x128xf32, #tpu.memory_space<vmem>>
      %dma_start3A_175 = tpu.memref_squeeze %dma_start3A_174 : memref<1x80x128xf32, #tpu.memory_space<vmem>> -> memref<80x128xf32, #tpu.memory_space<vmem>>
      %dma_start3A_176 = arith.constant 0 : i32
      %dma_start3A_177 = tpu.memref_slice %arg7[%add3A_73, %dma_start3A_176] : memref<10240x128xf32, #tpu.memory_space<vmem_shared>> -> memref<80x128xf32, #tpu.memory_space<vmem_shared>>
      %dma_start3A_178 = arith.constant 0 : i32
      %dma_start3A_179 = tpu.memref_slice %arg7[%add3A_73, %dma_start3A_178] : memref<10240x128xf32, #tpu.memory_space<vmem_shared>> -> memref<80x128xf32, #tpu.memory_space<vmem_shared>>
      %dma_start3A_180 = arith.constant 0 : i32
      %dma_start3A_181 = arith.constant 0 : i32
      %dma_start3A_182 = tpu.memref_slice %arg6[%run_scoped3A_74, %dma_start3A_180, %dma_start3A_181] : memref<4x80x128xf32, #tpu.memory_space<vmem>> -> memref<1x80x128xf32, #tpu.memory_space<vmem>>
      %dma_start3A_183 = tpu.memref_squeeze %dma_start3A_182 : memref<1x80x128xf32, #tpu.memory_space<vmem>> -> memref<80x128xf32, #tpu.memory_space<vmem>>
      tpu.enqueue_dma source(%dma_start3A_183 : memref<80x128xf32, #tpu.memory_space<vmem>>) target(%dma_start3A_179 : memref<80x128xf32, #tpu.memory_space<vmem_shared>>) target_semaphore(%run_scoped3A_171 : memref<!tpu.dma_semaphore, #tpu.memory_space<semaphore_mem>>)
      %dma_wait3A_184 = arith.constant 0 : i32
      %dma_wait3A_185 = arith.constant 0 : i32
      %dma_wait3A_186 = tpu.memref_slice %arg6[%run_scoped3A_74, %dma_wait3A_184, %dma_wait3A_185] : memref<4x80x128xf32, #tpu.memory_space<vmem>> -> memref<1x80x128xf32, #tpu.memory_space<vmem>>
      %dma_wait3A_187 = tpu.memref_squeeze %dma_wait3A_186 : memref<1x80x128xf32, #tpu.memory_space<vmem>> -> memref<80x128xf32, #tpu.memory_space<vmem>>
      %dma_wait3A_188 = arith.constant 0 : i32
      %dma_wait3A_189 = tpu.memref_slice %arg7[%add3A_73, %dma_wait3A_188] : memref<10240x128xf32, #tpu.memory_space<vmem_shared>> -> memref<80x128xf32, #tpu.memory_space<vmem_shared>>
      %dma_wait3A_190 = arith.constant 0 : i32
      %dma_wait3A_191 = tpu.memref_slice %arg7[%add3A_73, %dma_wait3A_190] : memref<10240x128xf32, #tpu.memory_space<vmem_shared>> -> memref<80x128xf32, #tpu.memory_space<vmem_shared>>
      %dma_wait3A_192 = arith.constant 0 : i32
      %dma_wait3A_193 = arith.constant 0 : i32
      %dma_wait3A_194 = tpu.memref_slice %arg6[%run_scoped3A_74, %dma_wait3A_192, %dma_wait3A_193] : memref<4x80x128xf32, #tpu.memory_space<vmem>> -> memref<1x80x128xf32, #tpu.memory_space<vmem>>
      %dma_wait3A_195 = tpu.memref_squeeze %dma_wait3A_194 : memref<1x80x128xf32, #tpu.memory_space<vmem>> -> memref<80x128xf32, #tpu.memory_space<vmem>>
      tpu.wait_dma2 semaphore(%run_scoped3A_171 : memref<!tpu.dma_semaphore, #tpu.memory_space<semaphore_mem>>) src(%dma_wait3A_195 : memref<80x128xf32, #tpu.memory_space<vmem>>) dst(%dma_wait3A_191 : memref<80x128xf32, #tpu.memory_space<vmem_shared>>)
      tpu.yield
    }) : () -> ()
    %add3A_75 = arith.constant 480 : i32
    %add3A_76 = arith.addi %mul3A_57, %add3A_75 : i32
    %run_scoped3A_77 = arith.constant 0 : i32
    "tpu.region"() ({
      %run_scoped3A_171 = tpu.sem_alloc : memref<!tpu.dma_semaphore, #tpu.memory_space<semaphore_mem>>
      %dma_start3A_172 = arith.constant 0 : i32
      %dma_start3A_173 = arith.constant 0 : i32
      %dma_start3A_174 = tpu.memref_slice %arg6[%run_scoped3A_77, %dma_start3A_172, %dma_start3A_173] : memref<4x80x128xf32, #tpu.memory_space<vmem>> -> memref<1x80x128xf32, #tpu.memory_space<vmem>>
      %dma_start3A_175 = tpu.memref_squeeze %dma_start3A_174 : memref<1x80x128xf32, #tpu.memory_space<vmem>> -> memref<80x128xf32, #tpu.memory_space<vmem>>
      %dma_start3A_176 = arith.constant 0 : i32
      %dma_start3A_177 = tpu.memref_slice %arg7[%add3A_76, %dma_start3A_176] : memref<10240x128xf32, #tpu.memory_space<vmem_shared>> -> memref<80x128xf32, #tpu.memory_space<vmem_shared>>
      %dma_start3A_178 = arith.constant 0 : i32
      %dma_start3A_179 = tpu.memref_slice %arg7[%add3A_76, %dma_start3A_178] : memref<10240x128xf32, #tpu.memory_space<vmem_shared>> -> memref<80x128xf32, #tpu.memory_space<vmem_shared>>
      %dma_start3A_180 = arith.constant 0 : i32
      %dma_start3A_181 = arith.constant 0 : i32
      %dma_start3A_182 = tpu.memref_slice %arg6[%run_scoped3A_77, %dma_start3A_180, %dma_start3A_181] : memref<4x80x128xf32, #tpu.memory_space<vmem>> -> memref<1x80x128xf32, #tpu.memory_space<vmem>>
      %dma_start3A_183 = tpu.memref_squeeze %dma_start3A_182 : memref<1x80x128xf32, #tpu.memory_space<vmem>> -> memref<80x128xf32, #tpu.memory_space<vmem>>
      tpu.enqueue_dma source(%dma_start3A_183 : memref<80x128xf32, #tpu.memory_space<vmem>>) target(%dma_start3A_179 : memref<80x128xf32, #tpu.memory_space<vmem_shared>>) target_semaphore(%run_scoped3A_171 : memref<!tpu.dma_semaphore, #tpu.memory_space<semaphore_mem>>)
      %dma_wait3A_184 = arith.constant 0 : i32
      %dma_wait3A_185 = arith.constant 0 : i32
      %dma_wait3A_186 = tpu.memref_slice %arg6[%run_scoped3A_77, %dma_wait3A_184, %dma_wait3A_185] : memref<4x80x128xf32, #tpu.memory_space<vmem>> -> memref<1x80x128xf32, #tpu.memory_space<vmem>>
      %dma_wait3A_187 = tpu.memref_squeeze %dma_wait3A_186 : memref<1x80x128xf32, #tpu.memory_space<vmem>> -> memref<80x128xf32, #tpu.memory_space<vmem>>
      %dma_wait3A_188 = arith.constant 0 : i32
      %dma_wait3A_189 = tpu.memref_slice %arg7[%add3A_76, %dma_wait3A_188] : memref<10240x128xf32, #tpu.memory_space<vmem_shared>> -> memref<80x128xf32, #tpu.memory_space<vmem_shared>>
      %dma_wait3A_190 = arith.constant 0 : i32
      %dma_wait3A_191 = tpu.memref_slice %arg7[%add3A_76, %dma_wait3A_190] : memref<10240x128xf32, #tpu.memory_space<vmem_shared>> -> memref<80x128xf32, #tpu.memory_space<vmem_shared>>
      %dma_wait3A_192 = arith.constant 0 : i32
      %dma_wait3A_193 = arith.constant 0 : i32
      %dma_wait3A_194 = tpu.memref_slice %arg6[%run_scoped3A_77, %dma_wait3A_192, %dma_wait3A_193] : memref<4x80x128xf32, #tpu.memory_space<vmem>> -> memref<1x80x128xf32, #tpu.memory_space<vmem>>
      %dma_wait3A_195 = tpu.memref_squeeze %dma_wait3A_194 : memref<1x80x128xf32, #tpu.memory_space<vmem>> -> memref<80x128xf32, #tpu.memory_space<vmem>>
      tpu.wait_dma2 semaphore(%run_scoped3A_171 : memref<!tpu.dma_semaphore, #tpu.memory_space<semaphore_mem>>) src(%dma_wait3A_195 : memref<80x128xf32, #tpu.memory_space<vmem>>) dst(%dma_wait3A_191 : memref<80x128xf32, #tpu.memory_space<vmem_shared>>)
      tpu.yield
    }) : () -> ()
    %add3A_78 = arith.constant 560 : i32
    %add3A_79 = arith.addi %mul3A_57, %add3A_78 : i32
    %run_scoped3A_80 = arith.constant 0 : i32
    "tpu.region"() ({
      %run_scoped3A_171 = tpu.sem_alloc : memref<!tpu.dma_semaphore, #tpu.memory_space<semaphore_mem>>
      %dma_start3A_172 = arith.constant 0 : i32
      %dma_start3A_173 = arith.constant 0 : i32
      %dma_start3A_174 = tpu.memref_slice %arg6[%run_scoped3A_80, %dma_start3A_172, %dma_start3A_173] : memref<4x80x128xf32, #tpu.memory_space<vmem>> -> memref<1x80x128xf32, #tpu.memory_space<vmem>>
      %dma_start3A_175 = tpu.memref_squeeze %dma_start3A_174 : memref<1x80x128xf32, #tpu.memory_space<vmem>> -> memref<80x128xf32, #tpu.memory_space<vmem>>
      %dma_start3A_176 = arith.constant 0 : i32
      %dma_start3A_177 = tpu.memref_slice %arg7[%add3A_79, %dma_start3A_176] : memref<10240x128xf32, #tpu.memory_space<vmem_shared>> -> memref<80x128xf32, #tpu.memory_space<vmem_shared>>
      %dma_start3A_178 = arith.constant 0 : i32
      %dma_start3A_179 = tpu.memref_slice %arg7[%add3A_79, %dma_start3A_178] : memref<10240x128xf32, #tpu.memory_space<vmem_shared>> -> memref<80x128xf32, #tpu.memory_space<vmem_shared>>
      %dma_start3A_180 = arith.constant 0 : i32
      %dma_start3A_181 = arith.constant 0 : i32
      %dma_start3A_182 = tpu.memref_slice %arg6[%run_scoped3A_80, %dma_start3A_180, %dma_start3A_181] : memref<4x80x128xf32, #tpu.memory_space<vmem>> -> memref<1x80x128xf32, #tpu.memory_space<vmem>>
      %dma_start3A_183 = tpu.memref_squeeze %dma_start3A_182 : memref<1x80x128xf32, #tpu.memory_space<vmem>> -> memref<80x128xf32, #tpu.memory_space<vmem>>
      tpu.enqueue_dma source(%dma_start3A_183 : memref<80x128xf32, #tpu.memory_space<vmem>>) target(%dma_start3A_179 : memref<80x128xf32, #tpu.memory_space<vmem_shared>>) target_semaphore(%run_scoped3A_171 : memref<!tpu.dma_semaphore, #tpu.memory_space<semaphore_mem>>)
      %dma_wait3A_184 = arith.constant 0 : i32
      %dma_wait3A_185 = arith.constant 0 : i32
      %dma_wait3A_186 = tpu.memref_slice %arg6[%run_scoped3A_80, %dma_wait3A_184, %dma_wait3A_185] : memref<4x80x128xf32, #tpu.memory_space<vmem>> -> memref<1x80x128xf32, #tpu.memory_space<vmem>>
      %dma_wait3A_187 = tpu.memref_squeeze %dma_wait3A_186 : memref<1x80x128xf32, #tpu.memory_space<vmem>> -> memref<80x128xf32, #tpu.memory_space<vmem>>
      %dma_wait3A_188 = arith.constant 0 : i32
      %dma_wait3A_189 = tpu.memref_slice %arg7[%add3A_79, %dma_wait3A_188] : memref<10240x128xf32, #tpu.memory_space<vmem_shared>> -> memref<80x128xf32, #tpu.memory_space<vmem_shared>>
      %dma_wait3A_190 = arith.constant 0 : i32
      %dma_wait3A_191 = tpu.memref_slice %arg7[%add3A_79, %dma_wait3A_190] : memref<10240x128xf32, #tpu.memory_space<vmem_shared>> -> memref<80x128xf32, #tpu.memory_space<vmem_shared>>
      %dma_wait3A_192 = arith.constant 0 : i32
      %dma_wait3A_193 = arith.constant 0 : i32
      %dma_wait3A_194 = tpu.memref_slice %arg6[%run_scoped3A_80, %dma_wait3A_192, %dma_wait3A_193] : memref<4x80x128xf32, #tpu.memory_space<vmem>> -> memref<1x80x128xf32, #tpu.memory_space<vmem>>
      %dma_wait3A_195 = tpu.memref_squeeze %dma_wait3A_194 : memref<1x80x128xf32, #tpu.memory_space<vmem>> -> memref<80x128xf32, #tpu.memory_space<vmem>>
      tpu.wait_dma2 semaphore(%run_scoped3A_171 : memref<!tpu.dma_semaphore, #tpu.memory_space<semaphore_mem>>) src(%dma_wait3A_195 : memref<80x128xf32, #tpu.memory_space<vmem>>) dst(%dma_wait3A_191 : memref<80x128xf32, #tpu.memory_space<vmem_shared>>)
      tpu.yield
    }) : () -> ()
    %add3A_81 = arith.constant 0 : i32
    %add3A_82 = arith.addi %mul3A_2, %add3A_81 : i32
    %dma_start3A_83 = arith.constant 0 : i32
    %dma_start3A_84 = arith.constant 0 : i32
    %dma_start3A_85 = tpu.memref_slice %arg5[%dma_start3A_83, %dma_start3A_84] : memref<4x80xi32, #tpu.memory_space<vmem>> -> memref<1x80xi32, #tpu.memory_space<vmem>>
    %dma_start3A_86 = tpu.memref_squeeze %dma_start3A_85 : memref<1x80xi32, #tpu.memory_space<vmem>> -> memref<80xi32, #tpu.memory_space<vmem>>
    %dma_start3A_87 = tpu.memref_slice %arg3[%add3A_82] : memref<320000xi32, #tpu.memory_space<hbm>> -> memref<80xi32, #tpu.memory_space<hbm>>
    %dma_start3A_88 = arith.constant 0 : i32
    %dma_start3A_89 = tpu.memref_slice %arg5[%dma_start3A_83, %dma_start3A_88] : memref<4x80xi32, #tpu.memory_space<vmem>> -> memref<1x80xi32, #tpu.memory_space<vmem>>
    %dma_start3A_90 = tpu.memref_squeeze %dma_start3A_89 : memref<1x80xi32, #tpu.memory_space<vmem>> -> memref<80xi32, #tpu.memory_space<vmem>>
    %dma_start3A_91 = tpu.memref_slice %arg3[%add3A_82] : memref<320000xi32, #tpu.memory_space<hbm>> -> memref<80xi32, #tpu.memory_space<hbm>>
    tpu.enqueue_dma source(%dma_start3A_91 : memref<80xi32, #tpu.memory_space<hbm>>) target(%dma_start3A_90 : memref<80xi32, #tpu.memory_space<vmem>>) target_semaphore(%arg12 : memref<!tpu.dma_semaphore, #tpu.memory_space<semaphore_mem>>)
    %dma_start3A_92 = arith.constant 0 : i32
    %dma_start3A_93 = arith.constant 0 : i32
    %dma_start3A_94 = arith.constant 0 : i32
    %dma_start3A_95 = tpu.memref_slice %arg6[%dma_start3A_92, %dma_start3A_93, %dma_start3A_94] : memref<4x80x128xf32, #tpu.memory_space<vmem>> -> memref<1x80x128xf32, #tpu.memory_space<vmem>>
    %dma_start3A_96 = tpu.memref_squeeze %dma_start3A_95 : memref<1x80x128xf32, #tpu.memory_space<vmem>> -> memref<80x128xf32, #tpu.memory_space<vmem>>
    %dma_start3A_97 = arith.constant 0 : i32
    %dma_start3A_98 = tpu.memref_slice %arg2[%add3A_82, %dma_start3A_97] : memref<320000x128xf32, #tpu.memory_space<hbm>> -> memref<80x128xf32, #tpu.memory_space<hbm>>
    %dma_start3A_99 = arith.constant 0 : i32
    %dma_start3A_100 = arith.constant 0 : i32
    %dma_start3A_101 = tpu.memref_slice %arg6[%dma_start3A_92, %dma_start3A_99, %dma_start3A_100] : memref<4x80x128xf32, #tpu.memory_space<vmem>> -> memref<1x80x128xf32, #tpu.memory_space<vmem>>
    %dma_start3A_102 = tpu.memref_squeeze %dma_start3A_101 : memref<1x80x128xf32, #tpu.memory_space<vmem>> -> memref<80x128xf32, #tpu.memory_space<vmem>>
    %dma_start3A_103 = arith.constant 0 : i32
    %dma_start3A_104 = tpu.memref_slice %arg2[%add3A_82, %dma_start3A_103] : memref<320000x128xf32, #tpu.memory_space<hbm>> -> memref<80x128xf32, #tpu.memory_space<hbm>>
    tpu.enqueue_dma source(%dma_start3A_104 : memref<80x128xf32, #tpu.memory_space<hbm>>) target(%dma_start3A_102 : memref<80x128xf32, #tpu.memory_space<vmem>>) target_semaphore(%arg8 : memref<!tpu.dma_semaphore, #tpu.memory_space<semaphore_mem>>)
    %barrier3A = arith.constant 0 : index
    tpu.barrier barrier_id(%barrier3A)
    %scan3A_105 = arith.constant 0 : i32
    %scan3A_106 = arith.constant 0 : i32
    %scan3A_107 = arith.constant 31 : i32
    %scan3A_108 = arith.addi %scan3A_106, %scan3A_107 : i32
    %scan3A_109 = arith.constant 1 : i32
    scf.for %scan3A_171 = %scan3A_106 to %scan3A_108 step %scan3A_109  : i32 {
      %mul3A_172 = arith.constant 4 : i32
      %mul3A_173 = arith.muli %scan3A_171, %mul3A_172 : i32
      %add3A_174 = arith.constant 0 : i32
      %add3A_175 = arith.addi %mul3A_173, %add3A_174 : i32
      %mul3A_176 = arith.constant 80 : i32
      %mul3A_177 = arith.muli %add3A_175, %mul3A_176 : i32
      %add3A_178 = arith.addi %mul3A_2, %mul3A_177 : i32
      %dma_wait3A_179 = arith.constant 0 : i32
      %dma_wait3A_180 = arith.constant 0 : i32
      %dma_wait3A_181 = tpu.memref_slice %arg5[%dma_wait3A_179, %dma_wait3A_180] : memref<4x80xi32, #tpu.memory_space<vmem>> -> memref<1x80xi32, #tpu.memory_space<vmem>>
      %dma_wait3A_182 = tpu.memref_squeeze %dma_wait3A_181 : memref<1x80xi32, #tpu.memory_space<vmem>> -> memref<80xi32, #tpu.memory_space<vmem>>
      %dma_wait3A_183 = tpu.memref_slice %arg3[%add3A_178] : memref<320000xi32, #tpu.memory_space<hbm>> -> memref<80xi32, #tpu.memory_space<hbm>>
      %dma_wait3A_184 = arith.constant 0 : i32
      %dma_wait3A_185 = tpu.memref_slice %arg5[%dma_wait3A_179, %dma_wait3A_184] : memref<4x80xi32, #tpu.memory_space<vmem>> -> memref<1x80xi32, #tpu.memory_space<vmem>>
      %dma_wait3A_186 = tpu.memref_squeeze %dma_wait3A_185 : memref<1x80xi32, #tpu.memory_space<vmem>> -> memref<80xi32, #tpu.memory_space<vmem>>
      %dma_wait3A_187 = tpu.memref_slice %arg3[%add3A_178] : memref<320000xi32, #tpu.memory_space<hbm>> -> memref<80xi32, #tpu.memory_space<hbm>>
      tpu.wait_dma2 semaphore(%arg12 : memref<!tpu.dma_semaphore, #tpu.memory_space<semaphore_mem>>) src(%dma_wait3A_187 : memref<80xi32, #tpu.memory_space<hbm>>) dst(%dma_wait3A_186 : memref<80xi32, #tpu.memory_space<vmem>>)
      %dma_wait3A_188 = arith.constant 0 : i32
      %dma_wait3A_189 = arith.constant 0 : i32
      %dma_wait3A_190 = arith.constant 0 : i32
      %dma_wait3A_191 = tpu.memref_slice %arg6[%dma_wait3A_188, %dma_wait3A_189, %dma_wait3A_190] : memref<4x80x128xf32, #tpu.memory_space<vmem>> -> memref<1x80x128xf32, #tpu.memory_space<vmem>>
      %dma_wait3A_192 = tpu.memref_squeeze %dma_wait3A_191 : memref<1x80x128xf32, #tpu.memory_space<vmem>> -> memref<80x128xf32, #tpu.memory_space<vmem>>
      %dma_wait3A_193 = arith.constant 0 : i32
      %dma_wait3A_194 = tpu.memref_slice %arg2[%add3A_178, %dma_wait3A_193] : memref<320000x128xf32, #tpu.memory_space<hbm>> -> memref<80x128xf32, #tpu.memory_space<hbm>>
      %dma_wait3A_195 = arith.constant 0 : i32
      %dma_wait3A_196 = arith.constant 0 : i32
      %dma_wait3A_197 = tpu.memref_slice %arg6[%dma_wait3A_188, %dma_wait3A_195, %dma_wait3A_196] : memref<4x80x128xf32, #tpu.memory_space<vmem>> -> memref<1x80x128xf32, #tpu.memory_space<vmem>>
      %dma_wait3A_198 = tpu.memref_squeeze %dma_wait3A_197 : memref<1x80x128xf32, #tpu.memory_space<vmem>> -> memref<80x128xf32, #tpu.memory_space<vmem>>
      %dma_wait3A_199 = arith.constant 0 : i32
      %dma_wait3A_200 = tpu.memref_slice %arg2[%add3A_178, %dma_wait3A_199] : memref<320000x128xf32, #tpu.memory_space<hbm>> -> memref<80x128xf32, #tpu.memory_space<hbm>>
      tpu.wait_dma2 semaphore(%arg8 : memref<!tpu.dma_semaphore, #tpu.memory_space<semaphore_mem>>) src(%dma_wait3A_200 : memref<80x128xf32, #tpu.memory_space<hbm>>) dst(%dma_wait3A_198 : memref<80x128xf32, #tpu.memory_space<vmem>>)
      %ge3A = arith.constant 1 : i32
      %ge3A_201 = arith.cmpi sge, %add3A_175, %ge3A : i32
      %convert_element_type3A = arith.extui %ge3A_201 : i1 to i32
      %cond3A = arith.constant 0 : i32
      %cond3A_202 = arith.cmpi ne, %convert_element_type3A, %cond3A : i32
      scf.if %cond3A_202 {
        %dma_wait3A_380 = arith.constant 3 : i32
        %dma_wait3A_381 = arith.constant 3 : i32
        %dma_wait3A_382 = arith.constant 0 : i32
        %dma_wait3A_383 = arith.constant 0 : i32
        %dma_wait3A_384 = tpu.memref_slice %arg6[%dma_wait3A_380, %dma_wait3A_382, %dma_wait3A_383] : memref<4x80x128xf32, #tpu.memory_space<vmem>> -> memref<1x80x128xf32, #tpu.memory_space<vmem>>
        %dma_wait3A_385 = tpu.memref_squeeze %dma_wait3A_384 : memref<1x80x128xf32, #tpu.memory_space<vmem>> -> memref<80x128xf32, #tpu.memory_space<vmem>>
        %dma_wait3A_386 = arith.constant 0 : i32
        %dma_wait3A_387 = tpu.memref_slice %arg5[%dma_wait3A_381, %dma_wait3A_386] : memref<4x80xi32, #tpu.memory_space<vmem>> -> memref<1x80xi32, #tpu.memory_space<vmem>>
        %dma_wait3A_388 = tpu.memref_squeeze %dma_wait3A_387 : memref<1x80xi32, #tpu.memory_space<vmem>> -> memref<80xi32, #tpu.memory_space<vmem>>
        %dma_wait3A_389 = arith.constant 0 : i32
        %dma_wait3A_390 = arith.constant 0 : i32
        %dma_wait3A_391 = tpu.memref_slice %arg7[%dma_wait3A_389, %dma_wait3A_390] : memref<10240x128xf32, #tpu.memory_space<vmem_shared>> -> memref<10240x128xf32, #tpu.memory_space<vmem_shared>>
        tpu.wait_indirect_dma semaphore(%arg19 : memref<!tpu.dma_semaphore, #tpu.memory_space<semaphore_mem>>) src(%dma_wait3A_385 : memref<80x128xf32, #tpu.memory_space<vmem>>) dst(%dma_wait3A_391 : memref<10240x128xf32, #tpu.memory_space<vmem_shared>>)
      } else {
      }
      %dma_start3A_203 = arith.constant 0 : i32
      %dma_start3A_204 = arith.constant 0 : i32
      %dma_start3A_205 = arith.constant 0 : i32
      %dma_start3A_206 = arith.constant 0 : i32
      %dma_start3A_207 = tpu.memref_slice %arg6[%dma_start3A_203, %dma_start3A_205, %dma_start3A_206] : memref<4x80x128xf32, #tpu.memory_space<vmem>> -> memref<1x80x128xf32, #tpu.memory_space<vmem>>
      %dma_start3A_208 = tpu.memref_squeeze %dma_start3A_207 : memref<1x80x128xf32, #tpu.memory_space<vmem>> -> memref<80x128xf32, #tpu.memory_space<vmem>>
      %dma_start3A_209 = arith.constant 0 : i32
      %dma_start3A_210 = tpu.memref_slice %arg5[%dma_start3A_204, %dma_start3A_209] : memref<4x80xi32, #tpu.memory_space<vmem>> -> memref<1x80xi32, #tpu.memory_space<vmem>>
      %dma_start3A_211 = tpu.memref_squeeze %dma_start3A_210 : memref<1x80xi32, #tpu.memory_space<vmem>> -> memref<80xi32, #tpu.memory_space<vmem>>
      %dma_start3A_212 = arith.constant 0 : i32
      %dma_start3A_213 = arith.constant 0 : i32
      %dma_start3A_214 = tpu.memref_slice %arg7[%dma_start3A_212, %dma_start3A_213] : memref<10240x128xf32, #tpu.memory_space<vmem_shared>> -> memref<10240x128xf32, #tpu.memory_space<vmem_shared>>
      tpu.enqueue_indirect_dma source(%dma_start3A_208 : memref<80x128xf32, #tpu.memory_space<vmem>>) target(%dma_start3A_214 : memref<10240x128xf32, #tpu.memory_space<vmem_shared>>) offsets(%dma_start3A_211 : memref<80xi32, #tpu.memory_space<vmem>>) semaphore(%arg16 : memref<!tpu.dma_semaphore, #tpu.memory_space<semaphore_mem>>) {add = true}
      %add3A_215 = arith.constant 3 : i32
      %add3A_216 = arith.addi %add3A_175, %add3A_215 : i32
      %lt3A = arith.constant 125 : i32
      %lt3A_217 = arith.cmpi slt, %add3A_216, %lt3A : i32
      %convert_element_type3A_218 = arith.extui %lt3A_217 : i1 to i32
      %cond3A_219 = arith.constant 0 : i32
      %cond3A_220 = arith.cmpi ne, %convert_element_type3A_218, %cond3A_219 : i32
      scf.if %cond3A_220 {
        %add3A_380 = arith.constant 3 : i32
        %add3A_381 = arith.addi %add3A_175, %add3A_380 : i32
        %mul3A_382 = arith.constant 80 : i32
        %mul3A_383 = arith.muli %add3A_381, %mul3A_382 : i32
        %add3A_384 = arith.addi %mul3A_2, %mul3A_383 : i32
        %dma_start3A_385 = arith.constant 3 : i32
        %dma_start3A_386 = arith.constant 0 : i32
        %dma_start3A_387 = tpu.memref_slice %arg5[%dma_start3A_385, %dma_start3A_386] : memref<4x80xi32, #tpu.memory_space<vmem>> -> memref<1x80xi32, #tpu.memory_space<vmem>>
        %dma_start3A_388 = tpu.memref_squeeze %dma_start3A_387 : memref<1x80xi32, #tpu.memory_space<vmem>> -> memref<80xi32, #tpu.memory_space<vmem>>
        %dma_start3A_389 = tpu.memref_slice %arg3[%add3A_384] : memref<320000xi32, #tpu.memory_space<hbm>> -> memref<80xi32, #tpu.memory_space<hbm>>
        %dma_start3A_390 = arith.constant 0 : i32
        %dma_start3A_391 = tpu.memref_slice %arg5[%dma_start3A_385, %dma_start3A_390] : memref<4x80xi32, #tpu.memory_space<vmem>> -> memref<1x80xi32, #tpu.memory_space<vmem>>
        %dma_start3A_392 = tpu.memref_squeeze %dma_start3A_391 : memref<1x80xi32, #tpu.memory_space<vmem>> -> memref<80xi32, #tpu.memory_space<vmem>>
        %dma_start3A_393 = tpu.memref_slice %arg3[%add3A_384] : memref<320000xi32, #tpu.memory_space<hbm>> -> memref<80xi32, #tpu.memory_space<hbm>>
        tpu.enqueue_dma source(%dma_start3A_393 : memref<80xi32, #tpu.memory_space<hbm>>) target(%dma_start3A_392 : memref<80xi32, #tpu.memory_space<vmem>>) target_semaphore(%arg15 : memref<!tpu.dma_semaphore, #tpu.memory_space<semaphore_mem>>)
        %dma_start3A_394 = arith.constant 3 : i32
        %dma_start3A_395 = arith.constant 0 : i32
        %dma_start3A_396 = arith.constant 0 : i32
        %dma_start3A_397 = tpu.memref_slice %arg6[%dma_start3A_394, %dma_start3A_395, %dma_start3A_396] : memref<4x80x128xf32, #tpu.memory_space<vmem>> -> memref<1x80x128xf32, #tpu.memory_space<vmem>>
        %dma_start3A_398 = tpu.memref_squeeze %dma_start3A_397 : memref<1x80x128xf32, #tpu.memory_space<vmem>> -> memref<80x128xf32, #tpu.memory_space<vmem>>
        %dma_start3A_399 = arith.constant 0 : i32
        %dma_start3A_400 = tpu.memref_slice %arg2[%add3A_384, %dma_start3A_399] : memref<320000x128xf32, #tpu.memory_space<hbm>> -> memref<80x128xf32, #tpu.memory_space<hbm>>
        %dma_start3A_401 = arith.constant 0 : i32
        %dma_start3A_402 = arith.constant 0 : i32
        %dma_start3A_403 = tpu.memref_slice %arg6[%dma_start3A_394, %dma_start3A_401, %dma_start3A_402] : memref<4x80x128xf32, #tpu.memory_space<vmem>> -> memref<1x80x128xf32, #tpu.memory_space<vmem>>
        %dma_start3A_404 = tpu.memref_squeeze %dma_start3A_403 : memref<1x80x128xf32, #tpu.memory_space<vmem>> -> memref<80x128xf32, #tpu.memory_space<vmem>>
        %dma_start3A_405 = arith.constant 0 : i32
        %dma_start3A_406 = tpu.memref_slice %arg2[%add3A_384, %dma_start3A_405] : memref<320000x128xf32, #tpu.memory_space<hbm>> -> memref<80x128xf32, #tpu.memory_space<hbm>>
        tpu.enqueue_dma source(%dma_start3A_406 : memref<80x128xf32, #tpu.memory_space<hbm>>) target(%dma_start3A_404 : memref<80x128xf32, #tpu.memory_space<vmem>>) target_semaphore(%arg11 : memref<!tpu.dma_semaphore, #tpu.memory_space<semaphore_mem>>)
      } else {
      }
      %mul3A_221 = arith.constant 4 : i32
      %mul3A_222 = arith.muli %scan3A_171, %mul3A_221 : i32
      %add3A_223 = arith.constant 1 : i32
      %add3A_224 = arith.addi %mul3A_222, %add3A_223 : i32
      %mul3A_225 = arith.constant 80 : i32
      %mul3A_226 = arith.muli %add3A_224, %mul3A_225 : i32
      %add3A_227 = arith.addi %mul3A_2, %mul3A_226 : i32
      %dma_wait3A_228 = arith.constant 1 : i32
      %dma_wait3A_229 = arith.constant 0 : i32
      %dma_wait3A_230 = tpu.memref_slice %arg5[%dma_wait3A_228, %dma_wait3A_229] : memref<4x80xi32, #tpu.memory_space<vmem>> -> memref<1x80xi32, #tpu.memory_space<vmem>>
      %dma_wait3A_231 = tpu.memref_squeeze %dma_wait3A_230 : memref<1x80xi32, #tpu.memory_space<vmem>> -> memref<80xi32, #tpu.memory_space<vmem>>
      %dma_wait3A_232 = tpu.memref_slice %arg3[%add3A_227] : memref<320000xi32, #tpu.memory_space<hbm>> -> memref<80xi32, #tpu.memory_space<hbm>>
      %dma_wait3A_233 = arith.constant 0 : i32
      %dma_wait3A_234 = tpu.memref_slice %arg5[%dma_wait3A_228, %dma_wait3A_233] : memref<4x80xi32, #tpu.memory_space<vmem>> -> memref<1x80xi32, #tpu.memory_space<vmem>>
      %dma_wait3A_235 = tpu.memref_squeeze %dma_wait3A_234 : memref<1x80xi32, #tpu.memory_space<vmem>> -> memref<80xi32, #tpu.memory_space<vmem>>
      %dma_wait3A_236 = tpu.memref_slice %arg3[%add3A_227] : memref<320000xi32, #tpu.memory_space<hbm>> -> memref<80xi32, #tpu.memory_space<hbm>>
      tpu.wait_dma2 semaphore(%arg13 : memref<!tpu.dma_semaphore, #tpu.memory_space<semaphore_mem>>) src(%dma_wait3A_236 : memref<80xi32, #tpu.memory_space<hbm>>) dst(%dma_wait3A_235 : memref<80xi32, #tpu.memory_space<vmem>>)
      %dma_wait3A_237 = arith.constant 1 : i32
      %dma_wait3A_238 = arith.constant 0 : i32
      %dma_wait3A_239 = arith.constant 0 : i32
      %dma_wait3A_240 = tpu.memref_slice %arg6[%dma_wait3A_237, %dma_wait3A_238, %dma_wait3A_239] : memref<4x80x128xf32, #tpu.memory_space<vmem>> -> memref<1x80x128xf32, #tpu.memory_space<vmem>>
      %dma_wait3A_241 = tpu.memref_squeeze %dma_wait3A_240 : memref<1x80x128xf32, #tpu.memory_space<vmem>> -> memref<80x128xf32, #tpu.memory_space<vmem>>
      %dma_wait3A_242 = arith.constant 0 : i32
      %dma_wait3A_243 = tpu.memref_slice %arg2[%add3A_227, %dma_wait3A_242] : memref<320000x128xf32, #tpu.memory_space<hbm>> -> memref<80x128xf32, #tpu.memory_space<hbm>>
      %dma_wait3A_244 = arith.constant 0 : i32
      %dma_wait3A_245 = arith.constant 0 : i32
      %dma_wait3A_246 = tpu.memref_slice %arg6[%dma_wait3A_237, %dma_wait3A_244, %dma_wait3A_245] : memref<4x80x128xf32, #tpu.memory_space<vmem>> -> memref<1x80x128xf32, #tpu.memory_space<vmem>>
      %dma_wait3A_247 = tpu.memref_squeeze %dma_wait3A_246 : memref<1x80x128xf32, #tpu.memory_space<vmem>> -> memref<80x128xf32, #tpu.memory_space<vmem>>
      %dma_wait3A_248 = arith.constant 0 : i32
      %dma_wait3A_249 = tpu.memref_slice %arg2[%add3A_227, %dma_wait3A_248] : memref<320000x128xf32, #tpu.memory_space<hbm>> -> memref<80x128xf32, #tpu.memory_space<hbm>>
      tpu.wait_dma2 semaphore(%arg9 : memref<!tpu.dma_semaphore, #tpu.memory_space<semaphore_mem>>) src(%dma_wait3A_249 : memref<80x128xf32, #tpu.memory_space<hbm>>) dst(%dma_wait3A_247 : memref<80x128xf32, #tpu.memory_space<vmem>>)
      %ge3A_250 = arith.constant 1 : i32
      %ge3A_251 = arith.cmpi sge, %add3A_224, %ge3A_250 : i32
      %convert_element_type3A_252 = arith.extui %ge3A_251 : i1 to i32
      %cond3A_253 = arith.constant 0 : i32
      %cond3A_254 = arith.cmpi ne, %convert_element_type3A_252, %cond3A_253 : i32
      scf.if %cond3A_254 {
        %dma_wait3A_380 = arith.constant 0 : i32
        %dma_wait3A_381 = arith.constant 0 : i32
        %dma_wait3A_382 = arith.constant 0 : i32
        %dma_wait3A_383 = arith.constant 0 : i32
        %dma_wait3A_384 = tpu.memref_slice %arg6[%dma_wait3A_380, %dma_wait3A_382, %dma_wait3A_383] : memref<4x80x128xf32, #tpu.memory_space<vmem>> -> memref<1x80x128xf32, #tpu.memory_space<vmem>>
        %dma_wait3A_385 = tpu.memref_squeeze %dma_wait3A_384 : memref<1x80x128xf32, #tpu.memory_space<vmem>> -> memref<80x128xf32, #tpu.memory_space<vmem>>
        %dma_wait3A_386 = arith.constant 0 : i32
        %dma_wait3A_387 = tpu.memref_slice %arg5[%dma_wait3A_381, %dma_wait3A_386] : memref<4x80xi32, #tpu.memory_space<vmem>> -> memref<1x80xi32, #tpu.memory_space<vmem>>
        %dma_wait3A_388 = tpu.memref_squeeze %dma_wait3A_387 : memref<1x80xi32, #tpu.memory_space<vmem>> -> memref<80xi32, #tpu.memory_space<vmem>>
        %dma_wait3A_389 = arith.constant 0 : i32
        %dma_wait3A_390 = arith.constant 0 : i32
        %dma_wait3A_391 = tpu.memref_slice %arg7[%dma_wait3A_389, %dma_wait3A_390] : memref<10240x128xf32, #tpu.memory_space<vmem_shared>> -> memref<10240x128xf32, #tpu.memory_space<vmem_shared>>
        tpu.wait_indirect_dma semaphore(%arg16 : memref<!tpu.dma_semaphore, #tpu.memory_space<semaphore_mem>>) src(%dma_wait3A_385 : memref<80x128xf32, #tpu.memory_space<vmem>>) dst(%dma_wait3A_391 : memref<10240x128xf32, #tpu.memory_space<vmem_shared>>)
      } else {
      }
      %dma_start3A_255 = arith.constant 1 : i32
      %dma_start3A_256 = arith.constant 1 : i32
      %dma_start3A_257 = arith.constant 0 : i32
      %dma_start3A_258 = arith.constant 0 : i32
      %dma_start3A_259 = tpu.memref_slice %arg6[%dma_start3A_255, %dma_start3A_257, %dma_start3A_258] : memref<4x80x128xf32, #tpu.memory_space<vmem>> -> memref<1x80x128xf32, #tpu.memory_space<vmem>>
      %dma_start3A_260 = tpu.memref_squeeze %dma_start3A_259 : memref<1x80x128xf32, #tpu.memory_space<vmem>> -> memref<80x128xf32, #tpu.memory_space<vmem>>
      %dma_start3A_261 = arith.constant 0 : i32
      %dma_start3A_262 = tpu.memref_slice %arg5[%dma_start3A_256, %dma_start3A_261] : memref<4x80xi32, #tpu.memory_space<vmem>> -> memref<1x80xi32, #tpu.memory_space<vmem>>
      %dma_start3A_263 = tpu.memref_squeeze %dma_start3A_262 : memref<1x80xi32, #tpu.memory_space<vmem>> -> memref<80xi32, #tpu.memory_space<vmem>>
      %dma_start3A_264 = arith.constant 0 : i32
      %dma_start3A_265 = arith.constant 0 : i32
      %dma_start3A_266 = tpu.memref_slice %arg7[%dma_start3A_264, %dma_start3A_265] : memref<10240x128xf32, #tpu.memory_space<vmem_shared>> -> memref<10240x128xf32, #tpu.memory_space<vmem_shared>>
      tpu.enqueue_indirect_dma source(%dma_start3A_260 : memref<80x128xf32, #tpu.memory_space<vmem>>) target(%dma_start3A_266 : memref<10240x128xf32, #tpu.memory_space<vmem_shared>>) offsets(%dma_start3A_263 : memref<80xi32, #tpu.memory_space<vmem>>) semaphore(%arg17 : memref<!tpu.dma_semaphore, #tpu.memory_space<semaphore_mem>>) {add = true}
      %add3A_267 = arith.constant 3 : i32
      %add3A_268 = arith.addi %add3A_224, %add3A_267 : i32
      %lt3A_269 = arith.constant 125 : i32
      %lt3A_270 = arith.cmpi slt, %add3A_268, %lt3A_269 : i32
      %convert_element_type3A_271 = arith.extui %lt3A_270 : i1 to i32
      %cond3A_272 = arith.constant 0 : i32
      %cond3A_273 = arith.cmpi ne, %convert_element_type3A_271, %cond3A_272 : i32
      scf.if %cond3A_273 {
        %add3A_380 = arith.constant 3 : i32
        %add3A_381 = arith.addi %add3A_224, %add3A_380 : i32
        %mul3A_382 = arith.constant 80 : i32
        %mul3A_383 = arith.muli %add3A_381, %mul3A_382 : i32
        %add3A_384 = arith.addi %mul3A_2, %mul3A_383 : i32
        %dma_start3A_385 = arith.constant 0 : i32
        %dma_start3A_386 = arith.constant 0 : i32
        %dma_start3A_387 = tpu.memref_slice %arg5[%dma_start3A_385, %dma_start3A_386] : memref<4x80xi32, #tpu.memory_space<vmem>> -> memref<1x80xi32, #tpu.memory_space<vmem>>
        %dma_start3A_388 = tpu.memref_squeeze %dma_start3A_387 : memref<1x80xi32, #tpu.memory_space<vmem>> -> memref<80xi32, #tpu.memory_space<vmem>>
        %dma_start3A_389 = tpu.memref_slice %arg3[%add3A_384] : memref<320000xi32, #tpu.memory_space<hbm>> -> memref<80xi32, #tpu.memory_space<hbm>>
        %dma_start3A_390 = arith.constant 0 : i32
        %dma_start3A_391 = tpu.memref_slice %arg5[%dma_start3A_385, %dma_start3A_390] : memref<4x80xi32, #tpu.memory_space<vmem>> -> memref<1x80xi32, #tpu.memory_space<vmem>>
        %dma_start3A_392 = tpu.memref_squeeze %dma_start3A_391 : memref<1x80xi32, #tpu.memory_space<vmem>> -> memref<80xi32, #tpu.memory_space<vmem>>
        %dma_start3A_393 = tpu.memref_slice %arg3[%add3A_384] : memref<320000xi32, #tpu.memory_space<hbm>> -> memref<80xi32, #tpu.memory_space<hbm>>
        tpu.enqueue_dma source(%dma_start3A_393 : memref<80xi32, #tpu.memory_space<hbm>>) target(%dma_start3A_392 : memref<80xi32, #tpu.memory_space<vmem>>) target_semaphore(%arg12 : memref<!tpu.dma_semaphore, #tpu.memory_space<semaphore_mem>>)
        %dma_start3A_394 = arith.constant 0 : i32
        %dma_start3A_395 = arith.constant 0 : i32
        %dma_start3A_396 = arith.constant 0 : i32
        %dma_start3A_397 = tpu.memref_slice %arg6[%dma_start3A_394, %dma_start3A_395, %dma_start3A_396] : memref<4x80x128xf32, #tpu.memory_space<vmem>> -> memref<1x80x128xf32, #tpu.memory_space<vmem>>
        %dma_start3A_398 = tpu.memref_squeeze %dma_start3A_397 : memref<1x80x128xf32, #tpu.memory_space<vmem>> -> memref<80x128xf32, #tpu.memory_space<vmem>>
        %dma_start3A_399 = arith.constant 0 : i32
        %dma_start3A_400 = tpu.memref_slice %arg2[%add3A_384, %dma_start3A_399] : memref<320000x128xf32, #tpu.memory_space<hbm>> -> memref<80x128xf32, #tpu.memory_space<hbm>>
        %dma_start3A_401 = arith.constant 0 : i32
        %dma_start3A_402 = arith.constant 0 : i32
        %dma_start3A_403 = tpu.memref_slice %arg6[%dma_start3A_394, %dma_start3A_401, %dma_start3A_402] : memref<4x80x128xf32, #tpu.memory_space<vmem>> -> memref<1x80x128xf32, #tpu.memory_space<vmem>>
        %dma_start3A_404 = tpu.memref_squeeze %dma_start3A_403 : memref<1x80x128xf32, #tpu.memory_space<vmem>> -> memref<80x128xf32, #tpu.memory_space<vmem>>
        %dma_start3A_405 = arith.constant 0 : i32
        %dma_start3A_406 = tpu.memref_slice %arg2[%add3A_384, %dma_start3A_405] : memref<320000x128xf32, #tpu.memory_space<hbm>> -> memref<80x128xf32, #tpu.memory_space<hbm>>
        tpu.enqueue_dma source(%dma_start3A_406 : memref<80x128xf32, #tpu.memory_space<hbm>>) target(%dma_start3A_404 : memref<80x128xf32, #tpu.memory_space<vmem>>) target_semaphore(%arg8 : memref<!tpu.dma_semaphore, #tpu.memory_space<semaphore_mem>>)
      } else {
      }
      %mul3A_274 = arith.constant 4 : i32
      %mul3A_275 = arith.muli %scan3A_171, %mul3A_274 : i32
      %add3A_276 = arith.constant 2 : i32
      %add3A_277 = arith.addi %mul3A_275, %add3A_276 : i32
      %mul3A_278 = arith.constant 80 : i32
      %mul3A_279 = arith.muli %add3A_277, %mul3A_278 : i32
      %add3A_280 = arith.addi %mul3A_2, %mul3A_279 : i32
      %dma_wait3A_281 = arith.constant 2 : i32
      %dma_wait3A_282 = arith.constant 0 : i32
      %dma_wait3A_283 = tpu.memref_slice %arg5[%dma_wait3A_281, %dma_wait3A_282] : memref<4x80xi32, #tpu.memory_space<vmem>> -> memref<1x80xi32, #tpu.memory_space<vmem>>
      %dma_wait3A_284 = tpu.memref_squeeze %dma_wait3A_283 : memref<1x80xi32, #tpu.memory_space<vmem>> -> memref<80xi32, #tpu.memory_space<vmem>>
      %dma_wait3A_285 = tpu.memref_slice %arg3[%add3A_280] : memref<320000xi32, #tpu.memory_space<hbm>> -> memref<80xi32, #tpu.memory_space<hbm>>
      %dma_wait3A_286 = arith.constant 0 : i32
      %dma_wait3A_287 = tpu.memref_slice %arg5[%dma_wait3A_281, %dma_wait3A_286] : memref<4x80xi32, #tpu.memory_space<vmem>> -> memref<1x80xi32, #tpu.memory_space<vmem>>
      %dma_wait3A_288 = tpu.memref_squeeze %dma_wait3A_287 : memref<1x80xi32, #tpu.memory_space<vmem>> -> memref<80xi32, #tpu.memory_space<vmem>>
      %dma_wait3A_289 = tpu.memref_slice %arg3[%add3A_280] : memref<320000xi32, #tpu.memory_space<hbm>> -> memref<80xi32, #tpu.memory_space<hbm>>
      tpu.wait_dma2 semaphore(%arg14 : memref<!tpu.dma_semaphore, #tpu.memory_space<semaphore_mem>>) src(%dma_wait3A_289 : memref<80xi32, #tpu.memory_space<hbm>>) dst(%dma_wait3A_288 : memref<80xi32, #tpu.memory_space<vmem>>)
      %dma_wait3A_290 = arith.constant 2 : i32
      %dma_wait3A_291 = arith.constant 0 : i32
      %dma_wait3A_292 = arith.constant 0 : i32
      %dma_wait3A_293 = tpu.memref_slice %arg6[%dma_wait3A_290, %dma_wait3A_291, %dma_wait3A_292] : memref<4x80x128xf32, #tpu.memory_space<vmem>> -> memref<1x80x128xf32, #tpu.memory_space<vmem>>
      %dma_wait3A_294 = tpu.memref_squeeze %dma_wait3A_293 : memref<1x80x128xf32, #tpu.memory_space<vmem>> -> memref<80x128xf32, #tpu.memory_space<vmem>>
      %dma_wait3A_295 = arith.constant 0 : i32
      %dma_wait3A_296 = tpu.memref_slice %arg2[%add3A_280, %dma_wait3A_295] : memref<320000x128xf32, #tpu.memory_space<hbm>> -> memref<80x128xf32, #tpu.memory_space<hbm>>
      %dma_wait3A_297 = arith.constant 0 : i32
      %dma_wait3A_298 = arith.constant 0 : i32
      %dma_wait3A_299 = tpu.memref_slice %arg6[%dma_wait3A_290, %dma_wait3A_297, %dma_wait3A_298] : memref<4x80x128xf32, #tpu.memory_space<vmem>> -> memref<1x80x128xf32, #tpu.memory_space<vmem>>
      %dma_wait3A_300 = tpu.memref_squeeze %dma_wait3A_299 : memref<1x80x128xf32, #tpu.memory_space<vmem>> -> memref<80x128xf32, #tpu.memory_space<vmem>>
      %dma_wait3A_301 = arith.constant 0 : i32
      %dma_wait3A_302 = tpu.memref_slice %arg2[%add3A_280, %dma_wait3A_301] : memref<320000x128xf32, #tpu.memory_space<hbm>> -> memref<80x128xf32, #tpu.memory_space<hbm>>
      tpu.wait_dma2 semaphore(%arg10 : memref<!tpu.dma_semaphore, #tpu.memory_space<semaphore_mem>>) src(%dma_wait3A_302 : memref<80x128xf32, #tpu.memory_space<hbm>>) dst(%dma_wait3A_300 : memref<80x128xf32, #tpu.memory_space<vmem>>)
      %ge3A_303 = arith.constant 1 : i32
      %ge3A_304 = arith.cmpi sge, %add3A_277, %ge3A_303 : i32
      %convert_element_type3A_305 = arith.extui %ge3A_304 : i1 to i32
      %cond3A_306 = arith.constant 0 : i32
      %cond3A_307 = arith.cmpi ne, %convert_element_type3A_305, %cond3A_306 : i32
      scf.if %cond3A_307 {
        %dma_wait3A_380 = arith.constant 1 : i32
        %dma_wait3A_381 = arith.constant 1 : i32
        %dma_wait3A_382 = arith.constant 0 : i32
        %dma_wait3A_383 = arith.constant 0 : i32
        %dma_wait3A_384 = tpu.memref_slice %arg6[%dma_wait3A_380, %dma_wait3A_382, %dma_wait3A_383] : memref<4x80x128xf32, #tpu.memory_space<vmem>> -> memref<1x80x128xf32, #tpu.memory_space<vmem>>
        %dma_wait3A_385 = tpu.memref_squeeze %dma_wait3A_384 : memref<1x80x128xf32, #tpu.memory_space<vmem>> -> memref<80x128xf32, #tpu.memory_space<vmem>>
        %dma_wait3A_386 = arith.constant 0 : i32
        %dma_wait3A_387 = tpu.memref_slice %arg5[%dma_wait3A_381, %dma_wait3A_386] : memref<4x80xi32, #tpu.memory_space<vmem>> -> memref<1x80xi32, #tpu.memory_space<vmem>>
        %dma_wait3A_388 = tpu.memref_squeeze %dma_wait3A_387 : memref<1x80xi32, #tpu.memory_space<vmem>> -> memref<80xi32, #tpu.memory_space<vmem>>
        %dma_wait3A_389 = arith.constant 0 : i32
        %dma_wait3A_390 = arith.constant 0 : i32
        %dma_wait3A_391 = tpu.memref_slice %arg7[%dma_wait3A_389, %dma_wait3A_390] : memref<10240x128xf32, #tpu.memory_space<vmem_shared>> -> memref<10240x128xf32, #tpu.memory_space<vmem_shared>>
        tpu.wait_indirect_dma semaphore(%arg17 : memref<!tpu.dma_semaphore, #tpu.memory_space<semaphore_mem>>) src(%dma_wait3A_385 : memref<80x128xf32, #tpu.memory_space<vmem>>) dst(%dma_wait3A_391 : memref<10240x128xf32, #tpu.memory_space<vmem_shared>>)
      } else {
      }
      %dma_start3A_308 = arith.constant 2 : i32
      %dma_start3A_309 = arith.constant 2 : i32
      %dma_start3A_310 = arith.constant 0 : i32
      %dma_start3A_311 = arith.constant 0 : i32
      %dma_start3A_312 = tpu.memref_slice %arg6[%dma_start3A_308, %dma_start3A_310, %dma_start3A_311] : memref<4x80x128xf32, #tpu.memory_space<vmem>> -> memref<1x80x128xf32, #tpu.memory_space<vmem>>
      %dma_start3A_313 = tpu.memref_squeeze %dma_start3A_312 : memref<1x80x128xf32, #tpu.memory_space<vmem>> -> memref<80x128xf32, #tpu.memory_space<vmem>>
      %dma_start3A_314 = arith.constant 0 : i32
      %dma_start3A_315 = tpu.memref_slice %arg5[%dma_start3A_309, %dma_start3A_314] : memref<4x80xi32, #tpu.memory_space<vmem>> -> memref<1x80xi32, #tpu.memory_space<vmem>>
      %dma_start3A_316 = tpu.memref_squeeze %dma_start3A_315 : memref<1x80xi32, #tpu.memory_space<vmem>> -> memref<80xi32, #tpu.memory_space<vmem>>
      %dma_start3A_317 = arith.constant 0 : i32
      %dma_start3A_318 = arith.constant 0 : i32
      %dma_start3A_319 = tpu.memref_slice %arg7[%dma_start3A_317, %dma_start3A_318] : memref<10240x128xf32, #tpu.memory_space<vmem_shared>> -> memref<10240x128xf32, #tpu.memory_space<vmem_shared>>
      tpu.enqueue_indirect_dma source(%dma_start3A_313 : memref<80x128xf32, #tpu.memory_space<vmem>>) target(%dma_start3A_319 : memref<10240x128xf32, #tpu.memory_space<vmem_shared>>) offsets(%dma_start3A_316 : memref<80xi32, #tpu.memory_space<vmem>>) semaphore(%arg18 : memref<!tpu.dma_semaphore, #tpu.memory_space<semaphore_mem>>) {add = true}
      %add3A_320 = arith.constant 3 : i32
      %add3A_321 = arith.addi %add3A_277, %add3A_320 : i32
      %lt3A_322 = arith.constant 125 : i32
      %lt3A_323 = arith.cmpi slt, %add3A_321, %lt3A_322 : i32
      %convert_element_type3A_324 = arith.extui %lt3A_323 : i1 to i32
      %cond3A_325 = arith.constant 0 : i32
      %cond3A_326 = arith.cmpi ne, %convert_element_type3A_324, %cond3A_325 : i32
      scf.if %cond3A_326 {
        %add3A_380 = arith.constant 3 : i32
        %add3A_381 = arith.addi %add3A_277, %add3A_380 : i32
        %mul3A_382 = arith.constant 80 : i32
        %mul3A_383 = arith.muli %add3A_381, %mul3A_382 : i32
        %add3A_384 = arith.addi %mul3A_2, %mul3A_383 : i32
        %dma_start3A_385 = arith.constant 1 : i32
        %dma_start3A_386 = arith.constant 0 : i32
        %dma_start3A_387 = tpu.memref_slice %arg5[%dma_start3A_385, %dma_start3A_386] : memref<4x80xi32, #tpu.memory_space<vmem>> -> memref<1x80xi32, #tpu.memory_space<vmem>>
        %dma_start3A_388 = tpu.memref_squeeze %dma_start3A_387 : memref<1x80xi32, #tpu.memory_space<vmem>> -> memref<80xi32, #tpu.memory_space<vmem>>
        %dma_start3A_389 = tpu.memref_slice %arg3[%add3A_384] : memref<320000xi32, #tpu.memory_space<hbm>> -> memref<80xi32, #tpu.memory_space<hbm>>
        %dma_start3A_390 = arith.constant 0 : i32
        %dma_start3A_391 = tpu.memref_slice %arg5[%dma_start3A_385, %dma_start3A_390] : memref<4x80xi32, #tpu.memory_space<vmem>> -> memref<1x80xi32, #tpu.memory_space<vmem>>
        %dma_start3A_392 = tpu.memref_squeeze %dma_start3A_391 : memref<1x80xi32, #tpu.memory_space<vmem>> -> memref<80xi32, #tpu.memory_space<vmem>>
        %dma_start3A_393 = tpu.memref_slice %arg3[%add3A_384] : memref<320000xi32, #tpu.memory_space<hbm>> -> memref<80xi32, #tpu.memory_space<hbm>>
        tpu.enqueue_dma source(%dma_start3A_393 : memref<80xi32, #tpu.memory_space<hbm>>) target(%dma_start3A_392 : memref<80xi32, #tpu.memory_space<vmem>>) target_semaphore(%arg13 : memref<!tpu.dma_semaphore, #tpu.memory_space<semaphore_mem>>)
        %dma_start3A_394 = arith.constant 1 : i32
        %dma_start3A_395 = arith.constant 0 : i32
        %dma_start3A_396 = arith.constant 0 : i32
        %dma_start3A_397 = tpu.memref_slice %arg6[%dma_start3A_394, %dma_start3A_395, %dma_start3A_396] : memref<4x80x128xf32, #tpu.memory_space<vmem>> -> memref<1x80x128xf32, #tpu.memory_space<vmem>>
        %dma_start3A_398 = tpu.memref_squeeze %dma_start3A_397 : memref<1x80x128xf32, #tpu.memory_space<vmem>> -> memref<80x128xf32, #tpu.memory_space<vmem>>
        %dma_start3A_399 = arith.constant 0 : i32
        %dma_start3A_400 = tpu.memref_slice %arg2[%add3A_384, %dma_start3A_399] : memref<320000x128xf32, #tpu.memory_space<hbm>> -> memref<80x128xf32, #tpu.memory_space<hbm>>
        %dma_start3A_401 = arith.constant 0 : i32
        %dma_start3A_402 = arith.constant 0 : i32
        %dma_start3A_403 = tpu.memref_slice %arg6[%dma_start3A_394, %dma_start3A_401, %dma_start3A_402] : memref<4x80x128xf32, #tpu.memory_space<vmem>> -> memref<1x80x128xf32, #tpu.memory_space<vmem>>
        %dma_start3A_404 = tpu.memref_squeeze %dma_start3A_403 : memref<1x80x128xf32, #tpu.memory_space<vmem>> -> memref<80x128xf32, #tpu.memory_space<vmem>>
        %dma_start3A_405 = arith.constant 0 : i32
        %dma_start3A_406 = tpu.memref_slice %arg2[%add3A_384, %dma_start3A_405] : memref<320000x128xf32, #tpu.memory_space<hbm>> -> memref<80x128xf32, #tpu.memory_space<hbm>>
        tpu.enqueue_dma source(%dma_start3A_406 : memref<80x128xf32, #tpu.memory_space<hbm>>) target(%dma_start3A_404 : memref<80x128xf32, #tpu.memory_space<vmem>>) target_semaphore(%arg9 : memref<!tpu.dma_semaphore, #tpu.memory_space<semaphore_mem>>)
      } else {
      }
      %mul3A_327 = arith.constant 4 : i32
      %mul3A_328 = arith.muli %scan3A_171, %mul3A_327 : i32
      %add3A_329 = arith.constant 3 : i32
      %add3A_330 = arith.addi %mul3A_328, %add3A_329 : i32
      %mul3A_331 = arith.constant 80 : i32
      %mul3A_332 = arith.muli %add3A_330, %mul3A_331 : i32
      %add3A_333 = arith.addi %mul3A_2, %mul3A_332 : i32
      %dma_wait3A_334 = arith.constant 3 : i32
      %dma_wait3A_335 = arith.constant 0 : i32
      %dma_wait3A_336 = tpu.memref_slice %arg5[%dma_wait3A_334, %dma_wait3A_335] : memref<4x80xi32, #tpu.memory_space<vmem>> -> memref<1x80xi32, #tpu.memory_space<vmem>>
      %dma_wait3A_337 = tpu.memref_squeeze %dma_wait3A_336 : memref<1x80xi32, #tpu.memory_space<vmem>> -> memref<80xi32, #tpu.memory_space<vmem>>
      %dma_wait3A_338 = tpu.memref_slice %arg3[%add3A_333] : memref<320000xi32, #tpu.memory_space<hbm>> -> memref<80xi32, #tpu.memory_space<hbm>>
      %dma_wait3A_339 = arith.constant 0 : i32
      %dma_wait3A_340 = tpu.memref_slice %arg5[%dma_wait3A_334, %dma_wait3A_339] : memref<4x80xi32, #tpu.memory_space<vmem>> -> memref<1x80xi32, #tpu.memory_space<vmem>>
      %dma_wait3A_341 = tpu.memref_squeeze %dma_wait3A_340 : memref<1x80xi32, #tpu.memory_space<vmem>> -> memref<80xi32, #tpu.memory_space<vmem>>
      %dma_wait3A_342 = tpu.memref_slice %arg3[%add3A_333] : memref<320000xi32, #tpu.memory_space<hbm>> -> memref<80xi32, #tpu.memory_space<hbm>>
      tpu.wait_dma2 semaphore(%arg15 : memref<!tpu.dma_semaphore, #tpu.memory_space<semaphore_mem>>) src(%dma_wait3A_342 : memref<80xi32, #tpu.memory_space<hbm>>) dst(%dma_wait3A_341 : memref<80xi32, #tpu.memory_space<vmem>>)
      %dma_wait3A_343 = arith.constant 3 : i32
      %dma_wait3A_344 = arith.constant 0 : i32
      %dma_wait3A_345 = arith.constant 0 : i32
      %dma_wait3A_346 = tpu.memref_slice %arg6[%dma_wait3A_343, %dma_wait3A_344, %dma_wait3A_345] : memref<4x80x128xf32, #tpu.memory_space<vmem>> -> memref<1x80x128xf32, #tpu.memory_space<vmem>>
      %dma_wait3A_347 = tpu.memref_squeeze %dma_wait3A_346 : memref<1x80x128xf32, #tpu.memory_space<vmem>> -> memref<80x128xf32, #tpu.memory_space<vmem>>
      %dma_wait3A_348 = arith.constant 0 : i32
      %dma_wait3A_349 = tpu.memref_slice %arg2[%add3A_333, %dma_wait3A_348] : memref<320000x128xf32, #tpu.memory_space<hbm>> -> memref<80x128xf32, #tpu.memory_space<hbm>>
      %dma_wait3A_350 = arith.constant 0 : i32
      %dma_wait3A_351 = arith.constant 0 : i32
      %dma_wait3A_352 = tpu.memref_slice %arg6[%dma_wait3A_343, %dma_wait3A_350, %dma_wait3A_351] : memref<4x80x128xf32, #tpu.memory_space<vmem>> -> memref<1x80x128xf32, #tpu.memory_space<vmem>>
      %dma_wait3A_353 = tpu.memref_squeeze %dma_wait3A_352 : memref<1x80x128xf32, #tpu.memory_space<vmem>> -> memref<80x128xf32, #tpu.memory_space<vmem>>
      %dma_wait3A_354 = arith.constant 0 : i32
      %dma_wait3A_355 = tpu.memref_slice %arg2[%add3A_333, %dma_wait3A_354] : memref<320000x128xf32, #tpu.memory_space<hbm>> -> memref<80x128xf32, #tpu.memory_space<hbm>>
      tpu.wait_dma2 semaphore(%arg11 : memref<!tpu.dma_semaphore, #tpu.memory_space<semaphore_mem>>) src(%dma_wait3A_355 : memref<80x128xf32, #tpu.memory_space<hbm>>) dst(%dma_wait3A_353 : memref<80x128xf32, #tpu.memory_space<vmem>>)
      %ge3A_356 = arith.constant 1 : i32
      %ge3A_357 = arith.cmpi sge, %add3A_330, %ge3A_356 : i32
      %convert_element_type3A_358 = arith.extui %ge3A_357 : i1 to i32
      %cond3A_359 = arith.constant 0 : i32
      %cond3A_360 = arith.cmpi ne, %convert_element_type3A_358, %cond3A_359 : i32
      scf.if %cond3A_360 {
        %dma_wait3A_380 = arith.constant 2 : i32
        %dma_wait3A_381 = arith.constant 2 : i32
        %dma_wait3A_382 = arith.constant 0 : i32
        %dma_wait3A_383 = arith.constant 0 : i32
        %dma_wait3A_384 = tpu.memref_slice %arg6[%dma_wait3A_380, %dma_wait3A_382, %dma_wait3A_383] : memref<4x80x128xf32, #tpu.memory_space<vmem>> -> memref<1x80x128xf32, #tpu.memory_space<vmem>>
        %dma_wait3A_385 = tpu.memref_squeeze %dma_wait3A_384 : memref<1x80x128xf32, #tpu.memory_space<vmem>> -> memref<80x128xf32, #tpu.memory_space<vmem>>
        %dma_wait3A_386 = arith.constant 0 : i32
        %dma_wait3A_387 = tpu.memref_slice %arg5[%dma_wait3A_381, %dma_wait3A_386] : memref<4x80xi32, #tpu.memory_space<vmem>> -> memref<1x80xi32, #tpu.memory_space<vmem>>
        %dma_wait3A_388 = tpu.memref_squeeze %dma_wait3A_387 : memref<1x80xi32, #tpu.memory_space<vmem>> -> memref<80xi32, #tpu.memory_space<vmem>>
        %dma_wait3A_389 = arith.constant 0 : i32
        %dma_wait3A_390 = arith.constant 0 : i32
        %dma_wait3A_391 = tpu.memref_slice %arg7[%dma_wait3A_389, %dma_wait3A_390] : memref<10240x128xf32, #tpu.memory_space<vmem_shared>> -> memref<10240x128xf32, #tpu.memory_space<vmem_shared>>
        tpu.wait_indirect_dma semaphore(%arg18 : memref<!tpu.dma_semaphore, #tpu.memory_space<semaphore_mem>>) src(%dma_wait3A_385 : memref<80x128xf32, #tpu.memory_space<vmem>>) dst(%dma_wait3A_391 : memref<10240x128xf32, #tpu.memory_space<vmem_shared>>)
      } else {
      }
      %dma_start3A_361 = arith.constant 3 : i32
      %dma_start3A_362 = arith.constant 3 : i32
      %dma_start3A_363 = arith.constant 0 : i32
      %dma_start3A_364 = arith.constant 0 : i32
      %dma_start3A_365 = tpu.memref_slice %arg6[%dma_start3A_361, %dma_start3A_363, %dma_start3A_364] : memref<4x80x128xf32, #tpu.memory_space<vmem>> -> memref<1x80x128xf32, #tpu.memory_space<vmem>>
      %dma_start3A_366 = tpu.memref_squeeze %dma_start3A_365 : memref<1x80x128xf32, #tpu.memory_space<vmem>> -> memref<80x128xf32, #tpu.memory_space<vmem>>
      %dma_start3A_367 = arith.constant 0 : i32
      %dma_start3A_368 = tpu.memref_slice %arg5[%dma_start3A_362, %dma_start3A_367] : memref<4x80xi32, #tpu.memory_space<vmem>> -> memref<1x80xi32, #tpu.memory_space<vmem>>
      %dma_start3A_369 = tpu.memref_squeeze %dma_start3A_368 : memref<1x80xi32, #tpu.memory_space<vmem>> -> memref<80xi32, #tpu.memory_space<vmem>>
      %dma_start3A_370 = arith.constant 0 : i32
      %dma_start3A_371 = arith.constant 0 : i32
      %dma_start3A_372 = tpu.memref_slice %arg7[%dma_start3A_370, %dma_start3A_371] : memref<10240x128xf32, #tpu.memory_space<vmem_shared>> -> memref<10240x128xf32, #tpu.memory_space<vmem_shared>>
      tpu.enqueue_indirect_dma source(%dma_start3A_366 : memref<80x128xf32, #tpu.memory_space<vmem>>) target(%dma_start3A_372 : memref<10240x128xf32, #tpu.memory_space<vmem_shared>>) offsets(%dma_start3A_369 : memref<80xi32, #tpu.memory_space<vmem>>) semaphore(%arg19 : memref<!tpu.dma_semaphore, #tpu.memory_space<semaphore_mem>>) {add = true}
      %add3A_373 = arith.constant 3 : i32
      %add3A_374 = arith.addi %add3A_330, %add3A_373 : i32
      %lt3A_375 = arith.constant 125 : i32
      %lt3A_376 = arith.cmpi slt, %add3A_374, %lt3A_375 : i32
      %convert_element_type3A_377 = arith.extui %lt3A_376 : i1 to i32
      %cond3A_378 = arith.constant 0 : i32
      %cond3A_379 = arith.cmpi ne, %convert_element_type3A_377, %cond3A_378 : i32
      scf.if %cond3A_379 {
        %add3A_380 = arith.constant 3 : i32
        %add3A_381 = arith.addi %add3A_330, %add3A_380 : i32
        %mul3A_382 = arith.constant 80 : i32
        %mul3A_383 = arith.muli %add3A_381, %mul3A_382 : i32
        %add3A_384 = arith.addi %mul3A_2, %mul3A_383 : i32
        %dma_start3A_385 = arith.constant 2 : i32
        %dma_start3A_386 = arith.constant 0 : i32
        %dma_start3A_387 = tpu.memref_slice %arg5[%dma_start3A_385, %dma_start3A_386] : memref<4x80xi32, #tpu.memory_space<vmem>> -> memref<1x80xi32, #tpu.memory_space<vmem>>
        %dma_start3A_388 = tpu.memref_squeeze %dma_start3A_387 : memref<1x80xi32, #tpu.memory_space<vmem>> -> memref<80xi32, #tpu.memory_space<vmem>>
        %dma_start3A_389 = tpu.memref_slice %arg3[%add3A_384] : memref<320000xi32, #tpu.memory_space<hbm>> -> memref<80xi32, #tpu.memory_space<hbm>>
        %dma_start3A_390 = arith.constant 0 : i32
        %dma_start3A_391 = tpu.memref_slice %arg5[%dma_start3A_385, %dma_start3A_390] : memref<4x80xi32, #tpu.memory_space<vmem>> -> memref<1x80xi32, #tpu.memory_space<vmem>>
        %dma_start3A_392 = tpu.memref_squeeze %dma_start3A_391 : memref<1x80xi32, #tpu.memory_space<vmem>> -> memref<80xi32, #tpu.memory_space<vmem>>
        %dma_start3A_393 = tpu.memref_slice %arg3[%add3A_384] : memref<320000xi32, #tpu.memory_space<hbm>> -> memref<80xi32, #tpu.memory_space<hbm>>
        tpu.enqueue_dma source(%dma_start3A_393 : memref<80xi32, #tpu.memory_space<hbm>>) target(%dma_start3A_392 : memref<80xi32, #tpu.memory_space<vmem>>) target_semaphore(%arg14 : memref<!tpu.dma_semaphore, #tpu.memory_space<semaphore_mem>>)
        %dma_start3A_394 = arith.constant 2 : i32
        %dma_start3A_395 = arith.constant 0 : i32
        %dma_start3A_396 = arith.constant 0 : i32
        %dma_start3A_397 = tpu.memref_slice %arg6[%dma_start3A_394, %dma_start3A_395, %dma_start3A_396] : memref<4x80x128xf32, #tpu.memory_space<vmem>> -> memref<1x80x128xf32, #tpu.memory_space<vmem>>
        %dma_start3A_398 = tpu.memref_squeeze %dma_start3A_397 : memref<1x80x128xf32, #tpu.memory_space<vmem>> -> memref<80x128xf32, #tpu.memory_space<vmem>>
        %dma_start3A_399 = arith.constant 0 : i32
        %dma_start3A_400 = tpu.memref_slice %arg2[%add3A_384, %dma_start3A_399] : memref<320000x128xf32, #tpu.memory_space<hbm>> -> memref<80x128xf32, #tpu.memory_space<hbm>>
        %dma_start3A_401 = arith.constant 0 : i32
        %dma_start3A_402 = arith.constant 0 : i32
        %dma_start3A_403 = tpu.memref_slice %arg6[%dma_start3A_394, %dma_start3A_401, %dma_start3A_402] : memref<4x80x128xf32, #tpu.memory_space<vmem>> -> memref<1x80x128xf32, #tpu.memory_space<vmem>>
        %dma_start3A_404 = tpu.memref_squeeze %dma_start3A_403 : memref<1x80x128xf32, #tpu.memory_space<vmem>> -> memref<80x128xf32, #tpu.memory_space<vmem>>
        %dma_start3A_405 = arith.constant 0 : i32
        %dma_start3A_406 = tpu.memref_slice %arg2[%add3A_384, %dma_start3A_405] : memref<320000x128xf32, #tpu.memory_space<hbm>> -> memref<80x128xf32, #tpu.memory_space<hbm>>
        tpu.enqueue_dma source(%dma_start3A_406 : memref<80x128xf32, #tpu.memory_space<hbm>>) target(%dma_start3A_404 : memref<80x128xf32, #tpu.memory_space<vmem>>) target_semaphore(%arg10 : memref<!tpu.dma_semaphore, #tpu.memory_space<semaphore_mem>>)
      } else {
      }
    }
    %scan3A_110 = arith.constant 31 : i32
    %add3A_111 = arith.constant 9920 : i32
    %add3A_112 = arith.addi %mul3A_2, %add3A_111 : i32
    %dma_wait3A = arith.constant 0 : i32
    %dma_wait3A_113 = arith.constant 0 : i32
    %dma_wait3A_114 = tpu.memref_slice %arg5[%dma_wait3A, %dma_wait3A_113] : memref<4x80xi32, #tpu.memory_space<vmem>> -> memref<1x80xi32, #tpu.memory_space<vmem>>
    %dma_wait3A_115 = tpu.memref_squeeze %dma_wait3A_114 : memref<1x80xi32, #tpu.memory_space<vmem>> -> memref<80xi32, #tpu.memory_space<vmem>>
    %dma_wait3A_116 = tpu.memref_slice %arg3[%add3A_112] : memref<320000xi32, #tpu.memory_space<hbm>> -> memref<80xi32, #tpu.memory_space<hbm>>
    %dma_wait3A_117 = arith.constant 0 : i32
    %dma_wait3A_118 = tpu.memref_slice %arg5[%dma_wait3A, %dma_wait3A_117] : memref<4x80xi32, #tpu.memory_space<vmem>> -> memref<1x80xi32, #tpu.memory_space<vmem>>
    %dma_wait3A_119 = tpu.memref_squeeze %dma_wait3A_118 : memref<1x80xi32, #tpu.memory_space<vmem>> -> memref<80xi32, #tpu.memory_space<vmem>>
    %dma_wait3A_120 = tpu.memref_slice %arg3[%add3A_112] : memref<320000xi32, #tpu.memory_space<hbm>> -> memref<80xi32, #tpu.memory_space<hbm>>
    tpu.wait_dma2 semaphore(%arg12 : memref<!tpu.dma_semaphore, #tpu.memory_space<semaphore_mem>>) src(%dma_wait3A_120 : memref<80xi32, #tpu.memory_space<hbm>>) dst(%dma_wait3A_119 : memref<80xi32, #tpu.memory_space<vmem>>)
    %dma_wait3A_121 = arith.constant 0 : i32
    %dma_wait3A_122 = arith.constant 0 : i32
    %dma_wait3A_123 = arith.constant 0 : i32
    %dma_wait3A_124 = tpu.memref_slice %arg6[%dma_wait3A_121, %dma_wait3A_122, %dma_wait3A_123] : memref<4x80x128xf32, #tpu.memory_space<vmem>> -> memref<1x80x128xf32, #tpu.memory_space<vmem>>
    %dma_wait3A_125 = tpu.memref_squeeze %dma_wait3A_124 : memref<1x80x128xf32, #tpu.memory_space<vmem>> -> memref<80x128xf32, #tpu.memory_space<vmem>>
    %dma_wait3A_126 = arith.constant 0 : i32
    %dma_wait3A_127 = tpu.memref_slice %arg2[%add3A_112, %dma_wait3A_126] : memref<320000x128xf32, #tpu.memory_space<hbm>> -> memref<80x128xf32, #tpu.memory_space<hbm>>
    %dma_wait3A_128 = arith.constant 0 : i32
    %dma_wait3A_129 = arith.constant 0 : i32
    %dma_wait3A_130 = tpu.memref_slice %arg6[%dma_wait3A_121, %dma_wait3A_128, %dma_wait3A_129] : memref<4x80x128xf32, #tpu.memory_space<vmem>> -> memref<1x80x128xf32, #tpu.memory_space<vmem>>
    %dma_wait3A_131 = tpu.memref_squeeze %dma_wait3A_130 : memref<1x80x128xf32, #tpu.memory_space<vmem>> -> memref<80x128xf32, #tpu.memory_space<vmem>>
    %dma_wait3A_132 = arith.constant 0 : i32
    %dma_wait3A_133 = tpu.memref_slice %arg2[%add3A_112, %dma_wait3A_132] : memref<320000x128xf32, #tpu.memory_space<hbm>> -> memref<80x128xf32, #tpu.memory_space<hbm>>
    tpu.wait_dma2 semaphore(%arg8 : memref<!tpu.dma_semaphore, #tpu.memory_space<semaphore_mem>>) src(%dma_wait3A_133 : memref<80x128xf32, #tpu.memory_space<hbm>>) dst(%dma_wait3A_131 : memref<80x128xf32, #tpu.memory_space<vmem>>)
    %dma_wait3A_134 = arith.constant 3 : i32
    %dma_wait3A_135 = arith.constant 3 : i32
    %dma_wait3A_136 = arith.constant 0 : i32
    %dma_wait3A_137 = arith.constant 0 : i32
    %dma_wait3A_138 = tpu.memref_slice %arg6[%dma_wait3A_134, %dma_wait3A_136, %dma_wait3A_137] : memref<4x80x128xf32, #tpu.memory_space<vmem>> -> memref<1x80x128xf32, #tpu.memory_space<vmem>>
    %dma_wait3A_139 = tpu.memref_squeeze %dma_wait3A_138 : memref<1x80x128xf32, #tpu.memory_space<vmem>> -> memref<80x128xf32, #tpu.memory_space<vmem>>
    %dma_wait3A_140 = arith.constant 0 : i32
    %dma_wait3A_141 = tpu.memref_slice %arg5[%dma_wait3A_135, %dma_wait3A_140] : memref<4x80xi32, #tpu.memory_space<vmem>> -> memref<1x80xi32, #tpu.memory_space<vmem>>
    %dma_wait3A_142 = tpu.memref_squeeze %dma_wait3A_141 : memref<1x80xi32, #tpu.memory_space<vmem>> -> memref<80xi32, #tpu.memory_space<vmem>>
    %dma_wait3A_143 = arith.constant 0 : i32
    %dma_wait3A_144 = arith.constant 0 : i32
    %dma_wait3A_145 = tpu.memref_slice %arg7[%dma_wait3A_143, %dma_wait3A_144] : memref<10240x128xf32, #tpu.memory_space<vmem_shared>> -> memref<10240x128xf32, #tpu.memory_space<vmem_shared>>
    tpu.wait_indirect_dma semaphore(%arg19 : memref<!tpu.dma_semaphore, #tpu.memory_space<semaphore_mem>>) src(%dma_wait3A_139 : memref<80x128xf32, #tpu.memory_space<vmem>>) dst(%dma_wait3A_145 : memref<10240x128xf32, #tpu.memory_space<vmem_shared>>)
    %dma_start3A_146 = arith.constant 0 : i32
    %dma_start3A_147 = arith.constant 0 : i32
    %dma_start3A_148 = arith.constant 0 : i32
    %dma_start3A_149 = arith.constant 0 : i32
    %dma_start3A_150 = tpu.memref_slice %arg6[%dma_start3A_146, %dma_start3A_148, %dma_start3A_149] : memref<4x80x128xf32, #tpu.memory_space<vmem>> -> memref<1x80x128xf32, #tpu.memory_space<vmem>>
    %dma_start3A_151 = tpu.memref_squeeze %dma_start3A_150 : memref<1x80x128xf32, #tpu.memory_space<vmem>> -> memref<80x128xf32, #tpu.memory_space<vmem>>
    %dma_start3A_152 = arith.constant 0 : i32
    %dma_start3A_153 = tpu.memref_slice %arg5[%dma_start3A_147, %dma_start3A_152] : memref<4x80xi32, #tpu.memory_space<vmem>> -> memref<1x80xi32, #tpu.memory_space<vmem>>
    %dma_start3A_154 = tpu.memref_squeeze %dma_start3A_153 : memref<1x80xi32, #tpu.memory_space<vmem>> -> memref<80xi32, #tpu.memory_space<vmem>>
    %dma_start3A_155 = arith.constant 0 : i32
    %dma_start3A_156 = arith.constant 0 : i32
    %dma_start3A_157 = tpu.memref_slice %arg7[%dma_start3A_155, %dma_start3A_156] : memref<10240x128xf32, #tpu.memory_space<vmem_shared>> -> memref<10240x128xf32, #tpu.memory_space<vmem_shared>>
    tpu.enqueue_indirect_dma source(%dma_start3A_151 : memref<80x128xf32, #tpu.memory_space<vmem>>) target(%dma_start3A_157 : memref<10240x128xf32, #tpu.memory_space<vmem_shared>>) offsets(%dma_start3A_154 : memref<80xi32, #tpu.memory_space<vmem>>) semaphore(%arg16 : memref<!tpu.dma_semaphore, #tpu.memory_space<semaphore_mem>>) {add = true}
    %dma_wait3A_158 = arith.constant 0 : i32
    %dma_wait3A_159 = arith.constant 0 : i32
    %dma_wait3A_160 = arith.constant 0 : i32
    %dma_wait3A_161 = arith.constant 0 : i32
    %dma_wait3A_162 = tpu.memref_slice %arg6[%dma_wait3A_158, %dma_wait3A_160, %dma_wait3A_161] : memref<4x80x128xf32, #tpu.memory_space<vmem>> -> memref<1x80x128xf32, #tpu.memory_space<vmem>>
    %dma_wait3A_163 = tpu.memref_squeeze %dma_wait3A_162 : memref<1x80x128xf32, #tpu.memory_space<vmem>> -> memref<80x128xf32, #tpu.memory_space<vmem>>
    %dma_wait3A_164 = arith.constant 0 : i32
    %dma_wait3A_165 = tpu.memref_slice %arg5[%dma_wait3A_159, %dma_wait3A_164] : memref<4x80xi32, #tpu.memory_space<vmem>> -> memref<1x80xi32, #tpu.memory_space<vmem>>
    %dma_wait3A_166 = tpu.memref_squeeze %dma_wait3A_165 : memref<1x80xi32, #tpu.memory_space<vmem>> -> memref<80xi32, #tpu.memory_space<vmem>>
    %dma_wait3A_167 = arith.constant 0 : i32
    %dma_wait3A_168 = arith.constant 0 : i32
    %dma_wait3A_169 = tpu.memref_slice %arg7[%dma_wait3A_167, %dma_wait3A_168] : memref<10240x128xf32, #tpu.memory_space<vmem_shared>> -> memref<10240x128xf32, #tpu.memory_space<vmem_shared>>
    tpu.wait_indirect_dma semaphore(%arg16 : memref<!tpu.dma_semaphore, #tpu.memory_space<semaphore_mem>>) src(%dma_wait3A_163 : memref<80x128xf32, #tpu.memory_space<vmem>>) dst(%dma_wait3A_169 : memref<10240x128xf32, #tpu.memory_space<vmem_shared>>)
    %barrier3A_170 = arith.constant 0 : index
    tpu.barrier barrier_id(%barrier3A_170)
    "tpu.region"() ({
      %run_scoped3A_171 = tpu.sem_alloc : memref<!tpu.dma_semaphore, #tpu.memory_space<semaphore_mem>>
      %dma_start3A_172 = arith.constant 0 : i32
      %dma_start3A_173 = tpu.memref_slice %arg4[%arg0, %mul3A_57, %dma_start3A_172] : memref<2x10240x128xf32, #tpu.memory_space<hbm>> -> memref<1x640x128xf32, #tpu.memory_space<hbm>>
      %dma_start3A_174 = tpu.memref_squeeze %dma_start3A_173 : memref<1x640x128xf32, #tpu.memory_space<hbm>> -> memref<640x128xf32, #tpu.memory_space<hbm>>
      %dma_start3A_175 = arith.constant 0 : i32
      %dma_start3A_176 = tpu.memref_slice %arg7[%mul3A_57, %dma_start3A_175] : memref<10240x128xf32, #tpu.memory_space<vmem_shared>> -> memref<640x128xf32, #tpu.memory_space<vmem_shared>>
      tpu.enqueue_dma source(%dma_start3A_176 : memref<640x128xf32, #tpu.memory_space<vmem_shared>>) target(%dma_start3A_174 : memref<640x128xf32, #tpu.memory_space<hbm>>) target_semaphore(%run_scoped3A_171 : memref<!tpu.dma_semaphore, #tpu.memory_space<semaphore_mem>>)
      %dma_wait3A_177 = arith.constant 0 : i32
      %dma_wait3A_178 = tpu.memref_slice %arg4[%arg0, %mul3A_57, %dma_wait3A_177] : memref<2x10240x128xf32, #tpu.memory_space<hbm>> -> memref<1x640x128xf32, #tpu.memory_space<hbm>>
      %dma_wait3A_179 = tpu.memref_squeeze %dma_wait3A_178 : memref<1x640x128xf32, #tpu.memory_space<hbm>> -> memref<640x128xf32, #tpu.memory_space<hbm>>
      %dma_wait3A_180 = arith.constant 0 : i32
      %dma_wait3A_181 = tpu.memref_slice %arg7[%mul3A_57, %dma_wait3A_180] : memref<10240x128xf32, #tpu.memory_space<vmem_shared>> -> memref<640x128xf32, #tpu.memory_space<vmem_shared>>
      tpu.wait_dma2 semaphore(%run_scoped3A_171 : memref<!tpu.dma_semaphore, #tpu.memory_space<semaphore_mem>>) src(%dma_wait3A_181 : memref<640x128xf32, #tpu.memory_space<vmem_shared>>) dst(%dma_wait3A_179 : memref<640x128xf32, #tpu.memory_space<hbm>>)
      tpu.yield
    }) : () -> ()
    return
  }
}

module attributes {stable_mosaic.version = 14 : i64} {
  func.func @_mlp_body(%arg0: i32, %arg1: memref<2x1000x128xf32, #tpu.memory_space<vmem>>, %arg2: memref<128x64xf32, #tpu.memory_space<vmem>>, %arg3: memref<1x64xf32, #tpu.memory_space<vmem>>, %arg4: memref<1x64xf32, #tpu.memory_space<vmem>>, %arg5: memref<1x1xf32, #tpu.memory_space<vmem>>, %arg6: memref<1000x1xf32, #tpu.memory_space<vmem>>, %arg7: memref<1000x128xf32, #tpu.memory_space<vmem>>) attributes {dimension_semantics = [#tpu.dimension_semantics<arbitrary>], iteration_bounds = array<i64: 10>, scalar_prefetch = 0 : i64, scratch_operands = 0 : i64, tpu.core_type = #tpu.core_type<tc>, window_params = [{transform_indices = @transform_0, window_bounds = array<i64: 2, 1000, 128>}, {pipeline_mode = #tpu.pipeline_mode<synchronous>, transform_indices = @transform_1, window_bounds = array<i64: 128, 64>}, {pipeline_mode = #tpu.pipeline_mode<synchronous>, transform_indices = @transform_2, window_bounds = array<i64: 1, 64>}, {pipeline_mode = #tpu.pipeline_mode<synchronous>, transform_indices = @transform_3, window_bounds = array<i64: 1, 64>}, {pipeline_mode = #tpu.pipeline_mode<synchronous>, transform_indices = @transform_4, window_bounds = array<i64: 1, 1>}, {transform_indices = @transform_5, window_bounds = array<i64: 1000, 1>}, {transform_indices = @transform_6, window_bounds = array<i64: 1000, 128>}]} {
    %get3A = arith.constant 0 : index
    %get3A_0 = arith.constant 0 : index
    %get3A_1 = arith.constant 0 : index
    %get3A_2 = vector.load %arg1[%get3A, %get3A_0, %get3A_1] : memref<2x1000x128xf32, #tpu.memory_space<vmem>>, vector<1x1000x128xf32>
    %get3A_3 = vector.shape_cast %get3A_2 : vector<1x1000x128xf32> to vector<1000x128xf32>
    %get3A_4 = arith.constant 1 : index
    %get3A_5 = arith.constant 0 : index
    %get3A_6 = arith.constant 0 : index
    %get3A_7 = vector.load %arg1[%get3A_4, %get3A_5, %get3A_6] : memref<2x1000x128xf32, #tpu.memory_space<vmem>>, vector<1x1000x128xf32>
    %get3A_8 = vector.shape_cast %get3A_7 : vector<1x1000x128xf32> to vector<1000x128xf32>
    %add3A = arith.addf %get3A_3, %get3A_8 : vector<1000x128xf32>
    %swap3A = arith.constant 0 : index
    %swap3A_9 = arith.constant 0 : index
    %swap3A_10 = vector.load %arg7[%swap3A, %swap3A_9] : memref<1000x128xf32, #tpu.memory_space<vmem>>, vector<1000x128xf32>
    tpu.vector_store %arg7[%swap3A, %swap3A_9], %add3A {strides = array<i32>} : memref<1000x128xf32, #tpu.memory_space<vmem>>, vector<1000x128xf32>,
    %get3A_11 = arith.constant 0 : index
    %get3A_12 = arith.constant 0 : index
    %get3A_13 = vector.load %arg2[%get3A_11, %get3A_12] : memref<128x64xf32, #tpu.memory_space<vmem>>, vector<128x64xf32>
    %dot_general3A = arith.constant dense<0.000000e+00> : vector<1000x64xf32>
    %dot_general3A_14 = tpu.matmul %add3A, %get3A_13, %dot_general3A {dimension_numbers = #tpu.dot_dimension_numbers<[1], [0], [0], [1], [0, 0, 1, 1], [], []>, transpose_lhs_hint = false} : vector<1000x128xf32>, vector<128x64xf32>, vector<1000x64xf32> -> vector<1000x64xf32>
    %get3A_15 = arith.constant 0 : index
    %get3A_16 = arith.constant 0 : index
    %get3A_17 = vector.load %arg3[%get3A_15, %get3A_16] : memref<1x64xf32, #tpu.memory_space<vmem>>, vector<1x64xf32>
    %add3A_18 = vector.broadcast %get3A_17 : vector<1x64xf32> to vector<1000x64xf32>
    %add3A_19 = arith.addf %dot_general3A_14, %add3A_18 : vector<1000x64xf32>
    %max3A = arith.constant 0.000000e+00 : f32
    %max3A_20 = vector.broadcast %max3A : f32 to vector<1000x64xf32>
    %max3A_21 = arith.maximumf %add3A_19, %max3A_20 : vector<1000x64xf32>
    %abs3A = math.absf %add3A_19 : vector<1000x64xf32>
    %neg3A = arith.constant 0.000000e+00 : f32
    %neg3A_22 = vector.broadcast %neg3A : f32 to vector<1000x64xf32>
    %neg3A_23 = arith.subf %neg3A_22, %abs3A : vector<1000x64xf32>
    %exp3A = math.exp %neg3A_23 : vector<1000x64xf32>
    %add3A_24 = arith.constant 1.000000e+00 : f32
    %add3A_25 = vector.broadcast %add3A_24 : f32 to vector<1000x64xf32>
    %add3A_26 = arith.addf %add3A_25, %exp3A : vector<1000x64xf32>
    %log3A = math.log %add3A_26 : vector<1000x64xf32>
    %add3A_27 = arith.addf %max3A_21, %log3A : vector<1000x64xf32>
    %sub3A = arith.constant 0.693147182 : f32
    %sub3A_28 = vector.broadcast %sub3A : f32 to vector<1000x64xf32>
    %sub3A_29 = arith.subf %add3A_27, %sub3A_28 : vector<1000x64xf32>
    %get3A_30 = arith.constant 0 : index
    %get3A_31 = arith.constant 0 : index
    %get3A_32 = vector.load %arg4[%get3A_30, %get3A_31] : memref<1x64xf32, #tpu.memory_space<vmem>>, vector<1x64xf32>
    %mul3A = vector.broadcast %get3A_32 : vector<1x64xf32> to vector<1000x64xf32>
    %mul3A_33 = arith.mulf %sub3A_29, %mul3A : vector<1000x64xf32>
    %reduce_sum3A = arith.constant dense<0.000000e+00> : vector<1000xf32>
    %reduce_sum3A_34 = vector.multi_reduction <add>, %mul3A_33, %reduce_sum3A [1] : vector<1000x64xf32> to vector<1000xf32>
    %broadcast_in_dim3A = vector.shape_cast %reduce_sum3A_34 : vector<1000xf32> to vector<1000x1xf32>
    %get3A_35 = arith.constant 0 : index
    %get3A_36 = arith.constant 0 : index
    %get3A_37 = vector.load %arg5[%get3A_35, %get3A_36] : memref<1x1xf32, #tpu.memory_space<vmem>>, vector<1x1xf32>
    %add3A_38 = vector.broadcast %get3A_37 : vector<1x1xf32> to vector<1000x1xf32>
    %add3A_39 = arith.addf %broadcast_in_dim3A, %add3A_38 : vector<1000x1xf32>
    %swap3A_40 = arith.constant 0 : index
    %swap3A_41 = arith.constant 0 : index
    %swap3A_42 = vector.load %arg6[%swap3A_40, %swap3A_41] : memref<1000x1xf32, #tpu.memory_space<vmem>>, vector<1000x1xf32>
    tpu.vector_store %arg6[%swap3A_40, %swap3A_41], %add3A_39 {strides = array<i32>} : memref<1000x1xf32, #tpu.memory_space<vmem>>, vector<1000x1xf32>,
    return
  }
  func.func @transform_0(%arg0: i32) -> (i32, i32, i32) {
    %c0_i32 = arith.constant 0 : i32
    %c0_i32_0 = arith.constant 0 : i32
    %c0_i32_1 = arith.constant 0 : i32
    return %c0_i32, %arg0, %c0_i32_0 : i32, i32, i32
  }
  func.func @transform_1(%arg0: i32) -> (i32, i32) {
    %c0_i32 = arith.constant 0 : i32
    %c0_i32_0 = arith.constant 0 : i32
    %c0_i32_1 = arith.constant 0 : i32
    return %c0_i32, %c0_i32_0 : i32, i32
  }
  func.func @transform_2(%arg0: i32) -> (i32, i32) {
    %c0_i32 = arith.constant 0 : i32
    %c0_i32_0 = arith.constant 0 : i32
    %c0_i32_1 = arith.constant 0 : i32
    return %c0_i32, %c0_i32_0 : i32, i32
  }
  func.func @transform_3(%arg0: i32) -> (i32, i32) {
    %c0_i32 = arith.constant 0 : i32
    %c0_i32_0 = arith.constant 0 : i32
    %c0_i32_1 = arith.constant 0 : i32
    return %c0_i32, %c0_i32_0 : i32, i32
  }
  func.func @transform_4(%arg0: i32) -> (i32, i32) {
    %c0_i32 = arith.constant 0 : i32
    %c0_i32_0 = arith.constant 0 : i32
    %c0_i32_1 = arith.constant 0 : i32
    return %c0_i32, %c0_i32_0 : i32, i32
  }
  func.func @transform_5(%arg0: i32) -> (i32, i32) {
    %c0_i32 = arith.constant 0 : i32
    %c0_i32_0 = arith.constant 0 : i32
    return %arg0, %c0_i32 : i32, i32
  }
  func.func @transform_6(%arg0: i32) -> (i32, i32) {
    %c0_i32 = arith.constant 0 : i32
    %c0_i32_0 = arith.constant 0 : i32
    return %arg0, %c0_i32 : i32, i32
  }
}

</mosaic_0001>

<sc_bundles>
// kernel: kernel.4.cloned.1.call-start
scs
__scs_entry_jumppad:
0x0: {  	(pc) =	sbr.rel $0x88, $3  }
0x1: {  	(tag) =	ssettag $0x0;
	lr =	simm.s32 $0x1  }
0x2: {  	[smem:$0x3F9B] =	sst lr;
	_ =	strace $0xD0000000  }
0x3: {  	_ = 	snop  }
0x4: {  	_ = 	snop  }
0x5: {  	_ = 	snop  }
0x6: {  	_ = 	snop  }
0x7: {  	_ = 	snop  }
__scs_overlays_trampoline_lowered:
0x8: {  	[smem:$0x3FAA] =	sst s0  }
0x9: {  	[smem:$0x3FAB] =	sst s1  }
0xa: {  	[smem:$0x3FAC] =	sst s2  }
0xb: {  	[smem:$0x3FAD] =	sst s3  }
0xc: {  	[smem:$0x3FAE] =	sst s4  }
0xd: {  	[smem:$0x3FAF] =	sst s5  }
0xe: {  	[smem:$0x3FB0] =	sst s6  }
0xf: {  	[smem:$0x3FB1] =	sst s7  }
0x10: {  	[smem:$0x3FB2] =	sst s8  }
0x11: {  	[smem:$0x3FB3] =	sst s9;
	s0 =	simm.s32 @!p0 $0x0  }
0x12: {  	s1 =	sld [smem:$0x3F99];
	s0 =	simm.s32 @p0 $0x1  }
0x13: {  	[smem:$0x3FB4] =	sst s0;
	s0 =	simm.s32 @!p1 $0x0  }
0x14: {  	s2 =	sld [smem:$0x3F98];
	s0 =	simm.s32 @p1 $0x1  }
0x15: {  	[smem:$0x3FB5] =	sst s0;
	s0 =	simm.s32 @!p2 $0x0  }
0x16: {  	s3 =	sld [smem:$0x3FDB];
	s0 =	simm.s32 @p2 $0x1  }
0x17: {  	s4 =	simm.s32 $0x1BF5;
	[smem:$0x3FB7] =	sst s0  }
0x18: {  	s0 =	sld [smem:$0x3F9A];
	_ =	swait.ge [sflag:s4], $0x0  }
0x19: {  	s7 =	sld [smem:$0x3F9B]  }
0x1a: {  	s8 =	sadd.s32 $0xFFFFE003, lr  }
0x1b: {  	s9 =	sadd.s32 $0xFFFFFEF7, lr;
	s5 =	simm.s32 $0xFFFFFFFF;
	p2 =	slt.u32 s8, $0xFFFFF086  }
0x1c: {  	p1 =	slt.u32 s9, $0xF7A;
	s5 =	simm.s32 @!p2 $0x0  }
0x1d: {  	s5 =	simm.s32 @p1 $0x1;
	p0 =	seq.s32 s7, s2  }
0x1e: {  	s7 =	smul.u32 @!p0 $0xF7A, s2;
	p2 =	seq.s32 @!p0 s5, $0x0  }
0x1f: {  	s9 =	smul.u32 $0xF7A, s1;
	s8 =	simm.s32 @!p0 $0x1BF5;
	p2 =	por !p2, p0  }
0x20: {  	[sflag:s8] =	ssyncset.s32 @!p0 $0xFFFFF086;
	s6 =	sadd.s32 @!p0 s3, s7;
	s7 =	simm.s32 @!p0 $0x108  }
0x21: {  	s3 =	sadd.s32 s3, s9;
	s6 =	sadd.s32 @!p0 $0x88, s6;
	s7 =	simm.s32 @p2 $0x1082  }
0x22: {  	[simem:s7], [sflag:s8] =	dma.local @!p0 [hbm:s6], $0xF7A  }
0x23: {  	s9 =	sor.u32 $0xD0000000, s2;
	s6 =	simm.s32 $0x108;
	_ =	swait.ge @!p0 [sflag:s8], $0x0  }
0x24: {  	s3 =	sadd.s32 $0x88, s3;
	s6 =	simm.s32 @!p1 $0x1082;
	[sflag:s4] =	ssyncset.s32 $0xFFFFF086  }
0x25: {  	[simem:s6], [sflag:s4] =	dma.local [hbm:s3], $0xF7A  }
0x26: {  	[smem:$0x3F9B] =	sst s1;
	(tag) =	ssettag s2;
	_ =	strace s9  }
0x27: {  	s1 =	sld [smem:$0x3FAB]  }
0x28: {  	s2 =	sld [smem:$0x3FAC]  }
0x29: {  	s4 =	sld [smem:$0x3FAE]  }
0x2a: {  	p0 =	seq.s32 s5, $0x0;
	s5 =	sld [smem:$0x3FAF]  }
0x2b: {  	s6 =	sld [smem:$0x3FB0]  }
0x2c: {  	s7 =	sld [smem:$0x3FB1]  }
0x2d: {  	s3 =	simm.s32 $0x108;
	s8 =	sld [smem:$0x3FB2]  }
0x2e: {  	s3 =	simm.s32 @!p0 $0x1082;
	s9 =	sld [smem:$0x3FB3]  }
0x2f: {  	lr =	sadd.s32 s0, s3;
	s0 =	sld [smem:$0x3FAA]  }
0x30: {  	s3 =	sld [smem:$0x3FAD]  }
0x31: {  	[smem:$0x3FB6] =	sst s10  }
0x32: {  	s10 =	sld [smem:$0x3FB4];
	_ =	sdelay $0x3  }
0x33: {  	p0 =	seq.s32 s10, $0x1;
	s10 =	sld [smem:$0x3FB6];
	_ =	sdelay $0x3  }
0x34: {  	[smem:$0x3FB6] =	sst s10  }
0x35: {  	s10 =	sld [smem:$0x3FB5];
	_ =	sdelay $0x3  }
0x36: {  	p1 =	seq.s32 s10, $0x1;
	s10 =	sld [smem:$0x3FB6];
	_ =	sdelay $0x3  }
0x37: {  	[smem:$0x3FB6] =	sst s10  }
0x38: {  	s10 =	sld [smem:$0x3FB7]  }
0x39: {  	_ = 	snop;
	(pc) =	sbr.ind lr, $3  }
0x3a: {  	_ = 	snop  }
0x3b: {  	_ = 	snop  }
0x3c: {  	p2 =	seq.s32 s10, $0x1;
	s10 =	sld [smem:$0x3FB6]  }
0x3d: {  	_ =	shalt  }
0x3e: {  	_ =	shalt  }
0x3f: {  	_ =	shalt  }
0x40: {  	_ =	shalt  }
0x41: {  	_ =	shalt  }
0x42: {  	_ =	shalt  }
0x43: {  	_ =	shalt  }
0x44: {  	_ =	shalt  }
0x45: {  	_ =	shalt  }
0x46: {  	_ =	shalt  }
0x47: {  	_ =	shalt  }
0x48: {  	_ =	shalt  }
0x49: {  	_ =	shalt  }
0x4a: {  	_ =	shalt  }
0x4b: {  	_ =	shalt  }
0x4c: {  	_ =	shalt  }
0x4d: {  	_ =	shalt  }
0x4e: {  	_ =	shalt  }
0x4f: {  	_ =	shalt  }
0x50: {  	_ =	shalt  }
0x51: {  	_ =	shalt  }
0x52: {  	_ =	shalt  }
0x53: {  	_ =	shalt  }
0x54: {  	_ =	shalt  }
0x55: {  	_ =	shalt  }
0x56: {  	_ =	shalt  }
0x57: {  	_ =	shalt  }
0x58: {  	_ =	shalt  }
0x59: {  	_ =	shalt  }
0x5a: {  	_ =	shalt  }
0x5b: {  	_ =	shalt  }
0x5c: {  	_ =	shalt  }
0x5d: {  	_ =	shalt  }
0x5e: {  	_ =	shalt  }
0x5f: {  	_ =	shalt  }
0x60: {  	_ =	shalt  }
0x61: {  	_ =	shalt  }
0x62: {  	_ =	shalt  }
0x63: {  	_ =	shalt  }
0x64: {  	_ =	shalt  }
0x65: {  	_ =	shalt  }
0x66: {  	_ =	shalt  }
0x67: {  	_ =	shalt  }
0x68: {  	_ =	shalt  }
0x69: {  	_ =	shalt  }
0x6a: {  	_ =	shalt  }
0x6b: {  	_ =	shalt  }
0x6c: {  	_ =	shalt  }
0x6d: {  	_ =	shalt  }
0x6e: {  	_ =	shalt  }
0x6f: {  	_ =	shalt  }
0x70: {  	_ =	shalt  }
0x71: {  	_ =	shalt  }
0x72: {  	_ =	shalt  }
0x73: {  	_ =	shalt  }
0x74: {  	_ =	shalt  }
0x75: {  	_ =	shalt  }
0x76: {  	_ =	shalt  }
0x77: {  	_ =	shalt  }
0x78: {  	_ =	shalt  }
0x79: {  	_ =	shalt  }
0x7a: {  	_ =	shalt  }
0x7b: {  	_ =	shalt  }
0x7c: {  	_ =	shalt  }
0x7d: {  	_ =	shalt  }
0x7e: {  	_ =	shalt  }
0x7f: {  	_ =	shalt  }
0x80: {  	_ =	shalt  }
0x81: {  	_ =	shalt  }
0x82: {  	_ =	shalt  }
0x83: {  	_ =	shalt  }
0x84: {  	_ =	shalt  }
0x85: {  	_ =	shalt  }
0x86: {  	_ =	shalt  }
0x87: {  	_ =	shalt  }
.Lfunc_end0:
.L_simem_size_0:
called_computation_lowered:
.L_overlay_start_0:
0x88: {  	s2 =	sld [smem:$0x3FD9]  }
0x89: {  	s3 =	sld [smem:$0x3FFE];
	_ =	sdelay $0x1  }
0x8a: {  	s1 =	srdreg.scid  }
0x8b: {  	s0 =	sand.u32 $0x1, s1  }
0x8c: {  	s17 =	sshll.u32 s0, $0xA;
	s2 =	sadd.s32 s3, s2  }
0x8d: {  	s2 =	sadd.s32 s2, s17  }
0x8e: {  	[smem:$0x3FC2] =	sst s2  }
0x8f: {  	_ = 	snop  }
0x90: {  	s2 =	sld [smem:$0x3FC9]  }
0x91: {  	s18 =	sld [smem:$0x3FC8];
	(tm) =	ssettm $0x1  }
0x92: {  	s4 =	sld [smem:$0x3FFB];
	_ =	sdelay $0x3  }
0x93: {  	_ =	strace s4  }
0x94: {  	s4 =	sld [smem:$0x3FFC];
	_ =	sdelay $0x3  }
0x95: {  	_ =	strace s4  }
0x96: {  	s4 =	sld [smem:$0x3FFD];
	_ =	sdelay $0x3  }
0x97: {  	_ =	strace s4  }
0x98: {  	_ =	strace $0x8FFFFFFF  }
0x99: {  	s19 =	sld [smem:$0x3FDB];
	_ =	sdelay $0x1  }
0x9a: {  	s5 =	simm.s32 $_scs_section_size  }
0x9b: {  	s6 =	simm.s32 $_size__tile_overlayer_lowered;
	s7 =	simm.s32 $_tile_overlayer_lowered  }
0x9c: {  	s22 =	simm.s32 $0x1BFF;
	s21 =	sshll.u32 s7, $0x1;
	s4 =	sadd.s32 s5, s19  }
0x9d: {  	s8 =	simm.s32 $0x0;
	s20 =	sshll.u32 s6, $0x1;
	s6 =	sadd.s32 s21, s4  }
0x9e: {  	[timem:s8], [sflag:s22] =	dma.local [hbm:s6], s20  }
0x9f: {  	_ =	swait.ge [sflag:s22], s20  }
0xa0: {  	s5 =	ssub.s32 $0x0, s20;
	[sflag:s22] =	ssyncset.done $0x0  }
0xa1: {  	[sflag:s22] =	ssyncadd.s32 s5;
	_ =	sdelay $0x1  }
0xa2: {  	s23 =	simm.s32 $0x1B8B  }
0xa3: {  	_ =	swait.ge [sflag:s23], $0x1  }
0xa4: {  	[sflag:s23] =	ssyncset.done $0x0  }
0xa5: {  	s25 =	simm.s32 $0x1B8E;
	s24 =	sld [smem:$0x3FFE];
	[sflag:s23] =	ssyncadd.s32 $0xFFFFFFFF  }
0xa6: {  	s26 =	simm.s32 $execute0_lowered;
	[smem:$0x3FD2] =	sst s25  }
0xa7: {  	s6 =	sshll.u32 s26, $0x1;
	_ =	strace $0x80000046;
	[dreg:$0x1] =	wrdreg $0xFFFFFFFF  }
0xa8: {  	s28 =	simm.s32 $_size_execute0_lowered;
	s4 =	sadd.s32 s4, s6;
	[dreg:$0x0] =	wrdreg $0x0  }
0xa9: {  	s6 =	sshll.u32 s28, $0x1;
	[dreg:$0x2] =	wrdreg s4  }
0xaa: {  	[dreg:$0x3] =	wrdreg s6  }
0xab: {  	[dreg:$0x4] =	wrdreg $0xC0  }
0xac: {  	_ =	task [dreg:s8], $0x5FFFF  }
0xad: {  	[dreg:$0x1] =	wrdreg $0xFFFFFFFF  }
0xae: {  	[dreg:$0x0] =	wrdreg $0x60  }
0xaf: {  	[dreg:$0x2] =	wrdreg s2  }
0xb0: {  	[dreg:$0x3] =	wrdreg s18  }
0xb1: {  	[dreg:$0x4] =	wrdreg s24  }
0xb2: {  	[dreg:$0x5] =	wrdreg $0xA2000  }
0xb3: {  	[dreg:$0x6] =	wrdreg $0x9  }
0xb4: {  	_ =	task.clear_ibuf [dreg:s8], $0x7FFFF;
	_ =	strace $0x90000046  }
0xb5: {  	s29 =	simm.s32 $0x9;
	_ =	strace $0x80000048  }
0xb6: {  	_ =	swait.ge [sflag:s29], $0x1  }
0xb7: {  	[sflag:s29] =	ssyncadd.s32 $0xFFFFFFFF  }
0xb8: {  	_ =	strace $0x90000048  }
0xb9: {  	_ =	sfence  }
0xba: {  	s30 =	sld [smem:$0x0];
	_ =	sdelay $0x2  }
0xbb: {  	s31 =	sshll.u32 s1, $0xD;
	s1 =	sshrl.u32 s1, $0x2  }
0xbc: {  	s3 =	sand.u32 $0x4000, s31;
	s1 =	sadd.s32 s1, s30  }
0xbd: {  	s0 =	sor.u32 s3, s0;
	s1 =	sshll.u32 s1, $0x11  }
0xbe: {  	s0 =	sor.u32 s1, s0  }
0xbf: {  	s0 =	sadd.s32 $0x8F2B, s0  }
0xc0: {  	[sflag:s0] =	ssyncadd.remote.s32 $0x1  }
0xc1: {  	_ =	sfence.sel $0xFFFF  }
0xc2: {  	[dreg:$0x0] =	wrdreg $0xFFFFFFFF;
	(pc) =	sbr.abs _section_cstart, $3  }
0xc3: {  	[dreg:$0x1] =	wrdreg $0xFFFFFFFF  }
0xc4: {  	_ =	task.clear_ibuf [dreg:s8], $0x2FFFF;
	_ =	strace $0x9FFFFFFF  }
0xc5: {  	(tm) =	ssettm $0x7FFFFFFF  }
tec
execute0_lowered:
.L_overlay_start_1:
0x0: {  	(tag) =	ssettag $0x1  }
0x1: {  	s0 =	rddreg [dreg:$0x0]  }
0x2: {  	s2 =	rddreg [dreg:$0x1]  }
0x3: {  	s1 =	srdreg.scid;
	s3 =	rddreg [dreg:$0x2]  }
0x4: {  	s10 =	stileid.u32;
	s4 =	rddreg [dreg:$0x3]  }
0x5: {  	s5 =	simm.s32 $0x0;
	s28 =	simm.s32 $0x2A00;
	s29 =	simm.s32 $0x100  }
0x6: {  	s30 =	simm.s32 $0x5200;
	s31 =	simm.s32 $0x200;
	s11 =	simm.s32 $0x6  }
0x7: {  	s1 =	sand.u32 $0x1, s1;
	s7 =	smul.u32 $0x14000, s10;
	[smem:$0x7FF] =	sst s5  }
0x8: {  	s6 =	smul.u32 $0x140000, s1;
	s8 =	sshll.u32 s1, $0x4;
	_ =	strace $0x80000047  }
0x9: {  	s1 =	ssub.s32 $0x2, s1;
	s8 =	sor.u32 s10, s8;
	s10 =	smul.u32 $0x50000, s10  }
0xa: {  	s12 =	sshrl.u32 s1, $0x1;
	s7 =	sadd.s32 s7, s6;
	s6 =	smul.u32 $0x2710, s8  }
0xb: {  	s1 =	ssub.s32 s1, s12;
	s23 =	smul.u32 $0x27100, s8;
	s12 =	simm.s32 $0x2  }
0xc: {  	s7 =	sshrl.u32 s7, $0x3;
	s10 =	sshrl.u32 s10, $0x2;
	s1 =	smax.u32 s1, $0x1  }
0xd: {  	s3 =	sadd.s32 s7, s3;
	s9 =	sadd.s32 $0x50, s6;
	s15 =	sadd.s32 $0xA0, s6  }
0xe: {  	s18 =	sadd.s32 s10, s4;
	s26 =	sshrl.u32 s6, $0x3;
	[dreg:$0x14] =	wrdreg s1  }
0xf: {  	s1 =	simm.s32 $0x5;
	s19 =	sadd.s32 $0x2800, s18;
	[dreg:$0x8] =	wrdreg s18  }
0x10: {  	s13 =	sshrl.u32 s9, $0x3;
	s20 =	sadd.s32 $0x5000, s18;
	[dreg:$0xa] =	wrdreg s19  }
0x11: {  	s14 =	sshll.u32 s9, $0x4;
	s21 =	sadd.s32 $0x7800, s18;
	[dreg:$0xb] =	wrdreg s20  }
0x12: {  	s16 =	sshrl.u32 s15, $0x3;
	s22 =	sadd.s32 $0xA000, s18;
	[dreg:$0xc] =	wrdreg s21  }
0x13: {  	s17 =	sshll.u32 s15, $0x4;
	s24 =	sadd.s32 $0xC800, s18;
	[dreg:$0xd] =	wrdreg s22  }
0x14: {  	s25 =	sadd.s32 $0xF000, s18;
	s9 =	sadd.s32 $0x11800, s18;
	[dreg:$0xe] =	wrdreg s24  }
0x15: {  	s8 =	sadd.s32 s2, s26;
	s3 =	sadd.s32 $0xA00, s3;
	[dreg:$0xf] =	wrdreg s25  }
0x16: {  	s26 =	simm.s32 $0x80;
	s15 =	simm.s32 $0x7;
	[dreg:$0x10] =	wrdreg s9  }
0x17: {  	s18 =	simm.s32 $0x8;
	s7 =	sadd.s32 s2, s13;
	[dreg:$0x11] =	wrdreg s8  }
0x18: {  	s21 =	sadd.s32 $0x140, s6;
	s22 =	sadd.s32 $0x190, s6;
	[dreg:$0x13] =	wrdreg s3  }
0x19: {  	s8 =	simm.s32 $0x180;
	s9 =	simm.s32 $0x7A00;
	s13 =	simm.s32 $0x9  }
0x1a: {  	s19 =	simm.s32 $0x4;
	s20 =	simm.s32 $0xB;
	s24 =	simm.s32 $0x0  }
.Ltmp0:
0x1b: {  	[dreg:$0x5] =	wrdreg s7;
	s7 =	sadd.s32 s0, s14;
	(pc) =	sbr.rel .LBB2_1-.Ltmp0, $4  }
0x1c: {  	s14 =	simm.s32 $0x50;
	[dreg:$0x6] =	wrdreg s7;
	s7 =	sadd.s32 s2, s16  }
0x1d: {  	s16 =	simm.s32 $0x3;
	[dreg:$0x7] =	wrdreg s7;
	s7 =	sadd.s32 s0, s17  }
0x1e: {  	s17 =	simm.s32 $0xA;
	[dreg:$0x9] =	wrdreg s7;
	s7 =	sadd.s32 s0, s23  }
0x1f: {  	v0 =	vimm.f32 $0.0e+00;
	s23 =	sadd.s32 $0x1E0, s6;
	[dreg:$0x12] =	wrdreg s7;
	s7 =	simm.s32 $0x1  }
.LBB2_6:
0x20: {  	_ =	swait.ge [sflag:s18], $0x50  }
0x21: {  	[sflag:s18] =	ssyncset.done $0x0  }
0x22: {  	[sflag:s18] =	ssyncadd.s32 $0xFFFFFFB0  }
0x23: {  	_ =	swait.ge [sflag:s19], $0x2800  }
0x24: {  	[sflag:s19] =	ssyncset.done $0x0  }
0x25: {  	[sflag:s19] =	ssyncadd.s32 $0xFFFFD800  }
0x26: {  	_ =	swait.ge [sflag:s20], $0x2800  }
0x27: {  	[sflag:s20] =	ssyncset.done $0x0  }
0x28: {  	[sflag:s20] =	ssyncadd.s32 $0xFFFFD800  }
0x29: {  	[spmem:s4] =	stream.indirect.scatter.add.f32 [tilespmem:s9], [sflag:$0xC], $0x80, s8, s14, $0xb8;
	[tilespmem:$0x1E200] =	vst v63  }
0x2a: {  	_ =	swait.ge [sflag:s1], $0x50  }
0x2b: {  	[sflag:s1] =	ssyncset.done $0x0  }
0x2c: {  	[sflag:s1] =	ssyncadd.s32 $0xFFFFFFB0  }
0x2d: {  	_ =	swait.ge [sflag:s7], $0x2800  }
0x2e: {  	[sflag:s7] =	ssyncset.done $0x0  }
0x2f: {  	s3 =	simm.s32 $0xC;
	[sflag:s7] =	ssyncadd.s32 $0xFFFFD800  }
0x30: {  	_ =	swait.ge [sflag:s3], $0x2800  }
0x31: {  	[sflag:s3] =	ssyncset.done $0x0  }
0x32: {  	[sflag:s3] =	ssyncadd.s32 $0xFFFFD800  }
0x33: {  	[spmem:s4] =	stream.indirect.scatter.add.f32 [tilespmem:s31], [sflag:$0x9], $0x80, s5, s14, $0xb8;
	[tilespmem:$0x1E200] =	vst v63  }
0x34: {  	_ =	swait.ge [sflag:s13], $0x2800  }
0x35: {  	[sflag:s13] =	ssyncset.done $0x0  }
0x36: {  	[sflag:s13] =	ssyncadd.s32 $0xFFFFD800  }
0x37: {  	s25 =	stileid.u32;
	[bflag:$0x0] =	sbarrier.arrive $0xFFFF  }
0x38: {  	s3 =	sshll.u32 s25, $0x6;
	s10 =	rddreg [dreg:$0x8]  }
0x39: {  	s3 =	sor.u32 $0x1C0D, s3;
	s24 =	rddreg [dreg:$0x13];
	s10 =	sshrl.u32 s10, $0x3  }
0x3a: {  	[hbm:s24], [sflag:s3] =	dma.local [spmem:s10], $0x2800  }
0x3b: {  	s10 =	simm.s32 $0xD  }
0x3c: {  	_ =	swait.ge [sflag:s10], $0x2800  }
0x3d: {  	s3 =	rddreg [dreg:$0x15]  }
0x3e: {  	s25 =	rddreg [dreg:$0x14];
	s24 =	sadd.s32 $0x1, s3  }
0x3f: {  	p0 =	sne.s32 s24, s25  }
.Ltmp1:
0x40: {  	_ = 	snop;
	(pc) =	sbr.rel @!p0 .LBB2_7-.Ltmp1, $3  }
0x41: {  	_ =	sdelay $0x1  }
0x42: {  	[sflag:s10] =	ssyncset.done $0x0  }
0x43: {  	[sflag:s10] =	ssyncadd.s32 $0xFFFFD800  }
.LBB2_1:
0x44: {  	[dreg:$0x15] =	wrdreg s24  }
0x45: {  	s3 =	rddreg [dreg:$0x5]  }
0x46: {  	[tilespmem:s26], [sflag:$0x6] =	stream.linear.gather [hbm4b:s3+s5], $0x50, $0x38;
	[tilespmem:$0x1E200] =	vst v63  }
0x47: {  	s10 =	rddreg [dreg:$0x6]  }
0x48: {  	[tilespmem:s28], [sflag:$0x2] =	stream.linear.gather [hbm4b:s10+s5], $0x2800, $0x38;
	[tilespmem:$0x1E200] =	vst v63  }
0x49: {  	s24 =	rddreg [dreg:$0x7]  }
0x4a: {  	[tilespmem:s29], [sflag:$0x7] =	stream.linear.gather [hbm4b:s24+s5], $0x50, $0x38;
	[tilespmem:$0x1E200] =	vst v63  }
0x4b: {  	s25 =	rddreg [dreg:$0x9];
	s10 =	sand.u32 $0xFE00, s5  }
0x4c: {  	[tilespmem:s30], [sflag:$0x3] =	stream.linear.gather [hbm4b:s25+s5], $0x2800, $0x38;
	[tilespmem:$0x1E200] =	vst v63  }
0x4d: {  	s3 =	sand.u32 $0x70, s5;
	s25 =	sshrl.u32 s10, $0x2  }
0x4e: {  	s24 =	simm.s32 $0x0;
	s10 =	simm.s32 $0x40;
	s25 =	sor.u32 s3, s25  }
.LBB2_2:
0x4f: {  	p0 =	sne.s32 s10, $0x9FC0  }
0x50: {  	[tilespmem:s25+$0x200] =	vst v0;
	s24 =	sadd.s32 $0x10, s24;
	s25 =	smov.u32 s10;
	s10 =	sadd.s32 $0x40, s10  }
.Ltmp2:
0x51: {  	(pc) =	sbr.rel @p0 .LBB2_2-.Ltmp2, $4  }
0x52: {  	_ = 	snop  }
0x53: {  	s25 =	sand.u32 $0xFE00, s25  }
0x54: {  	s3 =	sand.u32 $0x70, s24;
	s25 =	sshrl.u32 s25, $0x2  }
0x55: {  	s25 =	sor.u32 s3, s25  }
0x56: {  	[tilespmem:s25+$0x200] =	vst v0;
	s3 =	rddreg [dreg:$0x8];
	s10 =	simm.s32 $0xD  }
0x57: {  	[spmem:s3] =	stream.linear.scatter [tilespmem:s31], [sflag:$0xD], $0x2800, $0x38;
	[tilespmem:$0x1E200] =	vst v63  }
0x58: {  	_ =	swait.ge [sflag:s10], $0x2800  }
0x59: {  	[sflag:s10] =	ssyncset.done $0x0  }
0x5a: {  	s25 =	rddreg [dreg:$0xa];
	[sflag:s10] =	ssyncadd.s32 $0xFFFFD800  }
0x5b: {  	[spmem:s25] =	stream.linear.scatter [tilespmem:s31], [sflag:$0xD], $0x2800, $0x38;
	[tilespmem:$0x1E200] =	vst v63  }
0x5c: {  	_ =	swait.ge [sflag:s10], $0x2800  }
0x5d: {  	[sflag:s10] =	ssyncset.done $0x0  }
0x5e: {  	s24 =	rddreg [dreg:$0xb];
	[sflag:s10] =	ssyncadd.s32 $0xFFFFD800  }
0x5f: {  	[spmem:s24] =	stream.linear.scatter [tilespmem:s31], [sflag:$0xD], $0x2800, $0x38;
	[tilespmem:$0x1E200] =	vst v63  }
0x60: {  	_ =	swait.ge [sflag:s10], $0x2800  }
0x61: {  	[sflag:s10] =	ssyncset.done $0x0  }
0x62: {  	s25 =	rddreg [dreg:$0xc];
	[sflag:s10] =	ssyncadd.s32 $0xFFFFD800  }
0x63: {  	[spmem:s25] =	stream.linear.scatter [tilespmem:s31], [sflag:$0xD], $0x2800, $0x38;
	[tilespmem:$0x1E200] =	vst v63  }
0x64: {  	_ =	swait.ge [sflag:s10], $0x2800  }
0x65: {  	[sflag:s10] =	ssyncset.done $0x0  }
0x66: {  	s24 =	rddreg [dreg:$0xd];
	[sflag:s10] =	ssyncadd.s32 $0xFFFFD800  }
0x67: {  	[spmem:s24] =	stream.linear.scatter [tilespmem:s31], [sflag:$0xD], $0x2800, $0x38;
	[tilespmem:$0x1E200] =	vst v63  }
0x68: {  	_ =	swait.ge [sflag:s10], $0x2800  }
0x69: {  	[sflag:s10] =	ssyncset.done $0x0  }
0x6a: {  	s25 =	rddreg [dreg:$0xe];
	[sflag:s10] =	ssyncadd.s32 $0xFFFFD800  }
0x6b: {  	[spmem:s25] =	stream.linear.scatter [tilespmem:s31], [sflag:$0xD], $0x2800, $0x38;
	[tilespmem:$0x1E200] =	vst v63  }
0x6c: {  	_ =	swait.ge [sflag:s10], $0x2800  }
0x6d: {  	[sflag:s10] =	ssyncset.done $0x0  }
0x6e: {  	s24 =	rddreg [dreg:$0xf];
	[sflag:s10] =	ssyncadd.s32 $0xFFFFD800  }
0x6f: {  	[spmem:s24] =	stream.linear.scatter [tilespmem:s31], [sflag:$0xD], $0x2800, $0x38;
	[tilespmem:$0x1E200] =	vst v63  }
0x70: {  	_ =	swait.ge [sflag:s10], $0x2800  }
0x71: {  	[sflag:s10] =	ssyncset.done $0x0  }
0x72: {  	s25 =	rddreg [dreg:$0x10];
	[sflag:s10] =	ssyncadd.s32 $0xFFFFD800  }
0x73: {  	[spmem:s25] =	stream.linear.scatter [tilespmem:s31], [sflag:$0xD], $0x2800, $0x38;
	[tilespmem:$0x1E200] =	vst v63  }
0x74: {  	_ =	swait.ge [sflag:s10], $0x2800  }
0x75: {  	[sflag:s10] =	ssyncset.done $0x0  }
0x76: {  	s24 =	rddreg [dreg:$0x11];
	[sflag:s10] =	ssyncadd.s32 $0xFFFFD800;
	s10 =	simm.s32 $0x0  }
0x77: {  	[tilespmem:s10], [sflag:$0x5] =	stream.linear.gather [hbm4b:s24+s10], $0x50, $0x38;
	[tilespmem:$0x1E200] =	vst v63  }
0x78: {  	s25 =	rddreg [dreg:$0x12]  }
0x79: {  	[tilespmem:s31], [sflag:$0x1] =	stream.linear.gather [hbm4b:s25+s10], $0x2800, $0x38;
	[tilespmem:$0x1E200] =	vst v63  }
0x7a: {  	[bflag:$0x0] =	sbarrier.arrive $0xFFFF  }
.LBB2_4:
0x7b: {  	_ =	swait.ge [sflag:s1], $0x50  }
0x7c: {  	[sflag:s1] =	ssyncset.done $0x0  }
0x7d: {  	[sflag:s1] =	ssyncadd.s32 $0xFFFFFFB0  }
0x7e: {  	_ =	swait.ge [sflag:s7], $0x2800  }
0x7f: {  	p0 =	sne.s32 s10, $0x0;
	[sflag:s7] =	ssyncset.done $0x0  }
0x80: {  	s3 =	simm.s32 @p0 $0xC;
	[sflag:s7] =	ssyncadd.s32 $0xFFFFD800  }
0x81: {  	_ =	swait.ge @p0 [sflag:s3], $0x2800  }
0x82: {  	s24 =	simm.s32 @p0 $0x0;
	[sflag:s3] =	ssyncset.done @p0 $0x0  }
0x83: {  	s25 =	simm.s32 @p0 $0x200;
	[sflag:s3] =	ssyncadd.s32 @p0 $0xFFFFD800;
	s3 =	simm.s32 @p0 $0x50  }
0x84: {  	[spmem:s4] =	stream.indirect.scatter.add.f32 @p0 [tilespmem:s25], [sflag:$0x9], $0x80, s24, s3, $0xb8;
	[tilespmem:$0x1E200] =	vst v63  }
0x85: {  	s3 =	simm.s32 @!p0 $0x50;
	s24 =	simm.s32 @!p0 $0x0;
	s25 =	simm.s32 @!p0 $0x200  }
0x86: {  	[spmem:s4] =	stream.indirect.scatter.add.f32 @!p0 [tilespmem:s25], [sflag:$0x9], $0x80, s24, s3, $0xb8;
	[tilespmem:$0x1E200] =	vst v63  }
0x87: {  	s3 =	sadd.s32 @p0 $0xF0, s10  }
0x88: {  	s3 =	simm.s32 @!p0 $0xF0  }
0x89: {  	s3 =	sadd.s32 s6, s3  }
0x8a: {  	s25 =	sshrl.u32 s3, $0x3  }
0x8b: {  	s3 =	sshll.u32 s3, $0x4;
	s24 =	sadd.s32 s2, s25  }
0x8c: {  	[tilespmem:s8], [sflag:$0x8] =	stream.linear.gather [hbm4b:s24+s5], $0x50, $0x38;
	[tilespmem:$0x1E200] =	vst v63  }
0x8d: {  	s3 =	sadd.s32 s0, s3  }
0x8e: {  	[tilespmem:s9], [sflag:$0x4] =	stream.linear.gather [hbm4b:s3+s5], $0x2800, $0x38;
	[tilespmem:$0x1E200] =	vst v63  }
0x8f: {  	_ =	swait.ge [sflag:s11], $0x50  }
0x90: {  	[sflag:s11] =	ssyncset.done $0x0  }
0x91: {  	[sflag:s11] =	ssyncadd.s32 $0xFFFFFFB0  }
0x92: {  	_ =	swait.ge [sflag:s12], $0x2800  }
0x93: {  	[sflag:s12] =	ssyncset.done $0x0  }
0x94: {  	s24 =	smov.u32 s10;
	[sflag:s12] =	ssyncadd.s32 $0xFFFFD800  }
0x95: {  	s24 =	simm.s32 @!p0 $0x0;
	_ =	swait.ge [sflag:s13], $0x2800  }
0x96: {  	s3 =	sadd.s32 s24, s21;
	[sflag:s13] =	ssyncset.done $0x0  }
0x97: {  	s25 =	sshrl.u32 s3, $0x3;
	[sflag:s13] =	ssyncadd.s32 $0xFFFFD800  }
0x98: {  	[spmem:s4] =	stream.indirect.scatter.add.f32 [tilespmem:s28], [sflag:$0xA], $0x80, s26, s14, $0xb8;
	[tilespmem:$0x1E200] =	vst v63  }
0x99: {  	s3 =	sshll.u32 s3, $0x4;
	s25 =	sadd.s32 s2, s25  }
0x9a: {  	[tilespmem:s5], [sflag:$0x5] =	stream.linear.gather [hbm4b:s25+s5], $0x50, $0x38;
	[tilespmem:$0x1E200] =	vst v63  }
0x9b: {  	s3 =	sadd.s32 s0, s3  }
0x9c: {  	[tilespmem:s31], [sflag:$0x1] =	stream.linear.gather [hbm4b:s3+s5], $0x2800, $0x38;
	[tilespmem:$0x1E200] =	vst v63  }
0x9d: {  	_ =	swait.ge [sflag:s15], $0x50  }
0x9e: {  	[sflag:s15] =	ssyncset.done $0x0  }
0x9f: {  	[sflag:s15] =	ssyncadd.s32 $0xFFFFFFB0  }
0xa0: {  	_ =	swait.ge [sflag:s16], $0x2800  }
0xa1: {  	p0 =	seq.s32 s10, $0x2580;
	[sflag:s16] =	ssyncset.done $0x0  }
.Ltmp3:
0xa2: {  	[sflag:s16] =	ssyncadd.s32 $0xFFFFD800;
	(pc) =	sbr.rel @p0 .LBB2_6-.Ltmp3, $4  }
0xa3: {  	_ =	swait.ge [sflag:s17], $0x2800  }
0xa4: {  	[sflag:s17] =	ssyncset.done $0x0  }
0xa5: {  	[sflag:s17] =	ssyncadd.s32 $0xFFFFD800  }
0xa6: {  	[spmem:s4] =	stream.indirect.scatter.add.f32 [tilespmem:s30], [sflag:$0xB], $0x80, s29, s14, $0xb8;
	[tilespmem:$0x1E200] =	vst v63  }
0xa7: {  	s3 =	sadd.s32 s24, s22  }
0xa8: {  	s25 =	sshrl.u32 s3, $0x3  }
0xa9: {  	s3 =	sshll.u32 s3, $0x4;
	s25 =	sadd.s32 s2, s25  }
0xaa: {  	[tilespmem:s26], [sflag:$0x6] =	stream.linear.gather [hbm4b:s25+s5], $0x50, $0x38;
	[tilespmem:$0x1E200] =	vst v63  }
0xab: {  	s3 =	sadd.s32 s0, s3  }
0xac: {  	[tilespmem:s28], [sflag:$0x2] =	stream.linear.gather [hbm4b:s3+s5], $0x2800, $0x38;
	[tilespmem:$0x1E200] =	vst v63  }
0xad: {  	_ =	swait.ge [sflag:s18], $0x50  }
0xae: {  	[sflag:s18] =	ssyncset.done $0x0  }
0xaf: {  	[sflag:s18] =	ssyncadd.s32 $0xFFFFFFB0  }
0xb0: {  	_ =	swait.ge [sflag:s19], $0x2800  }
0xb1: {  	[sflag:s19] =	ssyncset.done $0x0  }
0xb2: {  	[sflag:s19] =	ssyncadd.s32 $0xFFFFD800  }
0xb3: {  	_ =	swait.ge [sflag:s20], $0x2800  }
0xb4: {  	[sflag:s20] =	ssyncset.done $0x0  }
0xb5: {  	s25 =	sadd.s32 s24, s23;
	[sflag:s20] =	ssyncadd.s32 $0xFFFFD800  }
0xb6: {  	[spmem:s4] =	stream.indirect.scatter.add.f32 [tilespmem:s9], [sflag:$0xC], $0x80, s8, s14, $0xb8;
	[tilespmem:$0x1E200] =	vst v63  }
.Ltmp4:
0xb7: {  	s24 =	sshrl.u32 s25, $0x3;
	(pc) =	sbr.rel .LBB2_4-.Ltmp4, $4  }
0xb8: {  	s24 =	sadd.s32 s2, s24;
	s3 =	sshll.u32 s25, $0x4  }
0xb9: {  	[tilespmem:s29], [sflag:$0x7] =	stream.linear.gather [hbm4b:s24+s5], $0x50, $0x38;
	[tilespmem:$0x1E200] =	vst v63  }
0xba: {  	s10 =	sadd.s32 $0x140, s10;
	s3 =	sadd.s32 s0, s3  }
0xbb: {  	[tilespmem:s30], [sflag:$0x3] =	stream.linear.gather [hbm4b:s3+s5], $0x2800, $0x38;
	[tilespmem:$0x1E200] =	vst v63  }
.LBB2_7:
0xbc: {  	_ =	sfence.sel $0x180000  }
0xbd: {  	[bflag:$0x0] =	sbarrier.arrive $0xFFFF  }
0xbe: {  	_ =	strace $0x90000047  }
0xbf: {  	s0 =	stileid.u32;
	[bflag:$0x2] =	sbarrier.arrive $0xFFFF  }
0xc0: {  	p0 =	sne.s32 s0, $0x0;
	s0 =	rddreg [dreg:$0x4]  }
0xc1: {  	s0 =	sadd.s32 @!p0 $0x100000, s0  }
0xc2: {  	[sflag:s0] =	ssyncadd.tile.s32 @!p0 $0x1;
	_ =	shalt  }
.Lfunc_end2:
_tile_overlayer_lowered:
.L_overlay_start_2:
0xc3: {  	(tag) =	ssettag $0x2  }
0xc4: {  	s0 =	rddreg [dreg:$0x0];
	s2 =	stileid.u32  }
0xc5: {  	s1 =	rddreg [dreg:$0x1];
	p0 =	sne.s32 s2, $0x0  }
0xc6: {  	s3 =	rddreg [dreg:$0x2];
	[bflag:$0x3] =	sbarrier.arrive $0xFFFF;
	s2 =	simm.s32 @!p0 $0x1C0D  }
0xc7: {  	[timem:s3], [sflag:s2] =	dma.local @!p0 [hbm:s0], s1  }
0xc8: {  	s0 =	simm.s32 @!p0 $0xD  }
0xc9: {  	_ =	swait.ge @!p0 [sflag:s0], s1  }
0xca: {  	s1 =	ssub.s32 @!p0 $0x0, s1;
	[sflag:s0] =	ssyncset.done @!p0 $0x0  }
0xcb: {  	[sflag:s0] =	ssyncadd.s32 @!p0 s1  }
0xcc: {  	[bflag:$0x3] =	sbarrier.arrive $0xFFFF  }
0xcd: {  	_ =	shalt  }

</sc_bundles>
